<compile_context>
chip_gen: v7x
topology: tpu7x:2x2x1
jax: 0.10.2.dev20260603
libtpu: 0.0.44.dev20260713+nightly
codegen_flags: <defaults>
</compile_context>

<pallas_src>
import functools

import jax
import jax.numpy as jnp
from jax import lax
from jax.experimental import pallas as pl
from jax.experimental.pallas import tpu as pltpu
from jax.experimental.pallas import tpu_sc as plsc

N = 8192
M = 8192
CSPLIT = 512
BJ = 512
NJ = (M - CSPLIT) // BJ

LANES = 16
NC = 2
NS = 16
NW = NC * NS
CHUNK_A = N // NW
CHUNK_B = CSPLIT // NW

_GDN = lax.GatherDimensionNumbers(
    offset_dims=(), collapsed_slice_dims=(0,), start_index_map=(0,)
)


def _lane_bcast(v, k):
    idx = jnp.full((LANES,), k, dtype=jnp.int32).reshape(LANES, 1)
    return lax.gather(
        v, idx, _GDN, slice_sizes=(1,),
        mode=lax.GatherScatterMode.PROMISE_IN_BOUNDS,
    )


def _halfnorm_pass(x_ref, y_ref, z_ref, th_ref, count):

    def body(v, carry):
        sl = pl.ds(v * LANES, LANES)
        x = x_ref[sl]
        y = y_ref[sl]
        z = z_ref[sl]
        th_ref[sl] = 0.5 * (x * x + y * y + z * z)
        return carry

    lax.fori_loop(0, count // LANES, body, 0, unroll=4)


def _nn_pass(qx_ref, qy_ref, qz_ref, dbx_ref, dby_ref, dbz_ref, th_ref,
             out_ref, qbase, obase, nq, db_n, qvsb):
    nsb = nq // (qvsb * LANES)

    def sub_block(sb, carry):
        qxs = []
        qys = []
        qzs = []
        for j in range(qvsb):
            sl = pl.ds(qbase + sb * (qvsb * LANES) + j * LANES, LANES)
            qxs.append(qx_ref[sl])
            qys.append(qy_ref[sl])
            qzs.append(qz_ref[sl])

        neg_inf = jnp.full((LANES,), -jnp.inf, dtype=jnp.float32)
        init = tuple(neg_inf for _ in range(qvsb))

        @plsc.parallel_loop(0, db_n // LANES, carry=init, unroll=1)
        def accs(v, accs):
            sl = pl.ds(v * LANES, LANES)
            dx16 = dbx_ref[sl]
            dy16 = dby_ref[sl]
            dz16 = dbz_ref[sl]
            th16 = th_ref[sl]

            def kbody(k, accs):
                accs = list(accs)
                for kk in range(4):
                    lane = k * 4 + kk
                    dxs = _lane_bcast(dx16, lane)
                    dys = _lane_bcast(dy16, lane)
                    dzs = _lane_bcast(dz16, lane)
                    ths = _lane_bcast(th16, lane)
                    for j in range(qvsb):
                        s = qxs[j] * dxs + qys[j] * dys + qzs[j] * dzs - ths
                        accs[j] = jnp.maximum(accs[j], s)
                return tuple(accs)

            return lax.fori_loop(0, LANES // 4, kbody, tuple(accs))

        for j in range(qvsb):
            qn = qxs[j] * qxs[j] + qys[j] * qys[j] + qzs[j] * qzs[j]
            d2 = qn - (accs[j] + accs[j])
            d2 = jnp.maximum(d2, 0.0)
            out_ref[pl.ds(obase + sb * (qvsb * LANES) + j * LANES, LANES)] = d2
        return carry

    lax.fori_loop(0, nsb, sub_block, 0)


def _sc_body(px_hbm, py_hbm, pz_hbm, tx_hbm, ty_hbm, tz_hbm,
             prow_hbm, tcol_hbm,
             px_v, py_v, pz_v, tx_v, ty_v, tz_v, thp_v, tht_v,
             outa_v, outb_v):
    wid = lax.axis_index("s") * NC + lax.axis_index("c")

    pltpu.sync_copy(px_hbm, px_v)
    pltpu.sync_copy(py_hbm, py_v)
    pltpu.sync_copy(pz_hbm, pz_v)
    pltpu.sync_copy(tx_hbm, tx_v)
    pltpu.sync_copy(ty_hbm, ty_v)
    pltpu.sync_copy(tz_hbm, tz_v)

    _halfnorm_pass(tx_v, ty_v, tz_v, tht_v, CSPLIT)
    _halfnorm_pass(px_v, py_v, pz_v, thp_v, N)

    _nn_pass(px_v, py_v, pz_v, tx_v, ty_v, tz_v, tht_v, outa_v,
             wid * CHUNK_A, 0, CHUNK_A, CSPLIT, 8)
    _nn_pass(tx_v, ty_v, tz_v, px_v, py_v, pz_v, thp_v, outb_v,
             wid * CHUNK_B, 0, CHUNK_B, N, CHUNK_B // LANES)

    pltpu.sync_copy(outa_v, prow_hbm.at[pl.ds(wid * CHUNK_A, CHUNK_A)])
    pltpu.sync_copy(outb_v, tcol_hbm.at[pl.ds(wid * CHUNK_B, CHUNK_B)])


_sc_chamfer = functools.partial(
    pl.kernel,
    out_type=(
        jax.ShapeDtypeStruct((N,), jnp.float32),
        jax.ShapeDtypeStruct((CSPLIT,), jnp.float32),
    ),
    mesh=plsc.VectorSubcoreMesh(core_axis_name="c", subcore_axis_name="s"),
    scratch_types=[
        pltpu.VMEM((N,), jnp.float32),
        pltpu.VMEM((N,), jnp.float32),
        pltpu.VMEM((N,), jnp.float32),
        pltpu.VMEM((CSPLIT,), jnp.float32),
        pltpu.VMEM((CSPLIT,), jnp.float32),
        pltpu.VMEM((CSPLIT,), jnp.float32),
        pltpu.VMEM((N,), jnp.float32),
        pltpu.VMEM((CSPLIT,), jnp.float32),
        pltpu.VMEM((CHUNK_A,), jnp.float32),
        pltpu.VMEM((CHUNK_B,), jnp.float32),
    ],
)(_sc_body)


def _tc_body(pred_ref, tgt_ref, rowout_ref, colmin_ref, rowmin_ref):
    j = pl.program_id(0)

    px = pred_ref[:, 0:1]
    py = pred_ref[:, 1:2]
    pz = pred_ref[:, 2:3]
    tx = tgt_ref[0:1, :]
    ty = tgt_ref[1:2, :]
    tz = tgt_ref[2:3, :]

    dx = px - tx
    dy = py - ty
    dz = pz - tz
    d2 = dz * dz + (dy * dy + dx * dx)

    folded = jnp.minimum(
        jnp.minimum(d2[:, 0:128], d2[:, 128:256]),
        jnp.minimum(d2[:, 256:384], d2[:, 384:512]),
    )
    colmin_ref[0:1, :] = jnp.min(d2, axis=0, keepdims=True)

    @pl.when(j == 0)
    def _init():
        rowmin_ref[:, :] = folded

    @pl.when(j > 0)
    def _acc():
        rowmin_ref[:, :] = jnp.minimum(rowmin_ref[:, :], folded)

    @pl.when(j == NJ - 1)
    def _final():
        rowout_ref[:, :] = jnp.min(rowmin_ref[:, :], axis=1, keepdims=True)


def _tc_part(pred, tgt_t):
    return pl.pallas_call(
        _tc_body,
        grid=(NJ,),
        in_specs=[
            pl.BlockSpec((N, 3), lambda j: (0, 0)),
            pl.BlockSpec((3, BJ), lambda j: (0, j + CSPLIT // BJ)),
        ],
        out_specs=[
            pl.BlockSpec((N, 1), lambda j: (0, 0)),
            pl.BlockSpec((1, BJ), lambda j: (0, j)),
        ],
        out_shape=[
            jax.ShapeDtypeStruct((N, 1), jnp.float32),
            jax.ShapeDtypeStruct((1, M - CSPLIT), jnp.float32),
        ],
        scratch_shapes=[pltpu.VMEM((N, 128), jnp.float32)],
    )(pred, tgt_t)


def _combine_body(tcrow_ref, scrow_ref, tccol_ref, sccol_ref, out_ref):
    rowmin = jnp.minimum(tcrow_ref[:, :], scrow_ref[:, :])
    rowsum = jnp.sum(jnp.sqrt(jnp.maximum(rowmin, 0.0)))
    colsum = jnp.sum(jnp.sqrt(jnp.maximum(tccol_ref[:, :], 0.0)))
    colsum += jnp.sum(jnp.sqrt(jnp.maximum(sccol_ref[:, :], 0.0)))
    out_ref[0, 0] = rowsum * (1.0 / N) + colsum * (1.0 / M)


def _combine(tcrow, scrow, tccol, sccol):
    return pl.pallas_call(
        _combine_body,
        out_specs=pl.BlockSpec(memory_space=pltpu.SMEM),
        out_shape=jax.ShapeDtypeStruct((1, 1), jnp.float32),
    )(tcrow, scrow.reshape(N, 1), tccol, sccol.reshape(1, CSPLIT))


@jax.jit
def kernel(pred, target):
    px, py, pz = pred[:, 0], pred[:, 1], pred[:, 2]
    tx, ty, tz = target[:, 0], target[:, 1], target[:, 2]
    sc_rowmin, sc_colmin = _sc_chamfer(
        px, py, pz, tx[:CSPLIT], ty[:CSPLIT], tz[:CSPLIT]
    )
    tc_rowmin, tc_colmin = _tc_part(pred, target.T)
    return _combine(tc_rowmin, sc_rowmin, tc_colmin, sc_colmin)[0, 0]

# --- scband reference (transcript-rebuilt; emitter-appended) ---
"""Pipeline reference for scband-chamfer-loss-42494406427162 (READ-ONLY COPY).

The authoritative reference and input builder live on the scoring server;
editing this copy changes nothing except your own understanding.
"""

import jax, jax.numpy as jnp
import numpy as np


def setup_inputs(seed: int = 0) -> dict:
    key = jax.random.key(seed)
    k1, k2 = jax.random.split(key)
    pred = jax.random.normal(k1, (8192, 3), dtype=jnp.float32)
    target = jax.random.normal(k2, (8192, 3), dtype=jnp.float32)
    return {"pred": pred, "target": target}


def reference(pred, target):
    # diff_p2t: (N, M, 3)
    diff_p2t = pred[:, None, :] - target[None, :, :]
    dist_p2t = jnp.linalg.norm(diff_p2t, axis=-1)  # (N, M)
    min_dist_p2t = jnp.min(dist_p2t, axis=1)  # (N,)
    min_dist_t2p = jnp.min(dist_p2t, axis=0)  # (M,)
    chamfer = jnp.mean(min_dist_p2t) + jnp.mean(min_dist_t2p)
    return chamfer

if __name__ == "__main__":
    import jax
    _d = setup_inputs()
    print(jax.jit(kernel)(*tuple(_d.values())))

</pallas_src>

<mosaic_0001>
#map = affine_map<(d0, d1) -> (0)>
module attributes {stable_mosaic.version = 14 : i64} {
  func.func @_sc_body(%arg0: i32, %arg1: i32, %arg2: memref<8192xf32, #tpu.memory_space<hbm>>, %arg3: memref<8192xf32, #tpu.memory_space<hbm>>, %arg4: memref<8192xf32, #tpu.memory_space<hbm>>, %arg5: memref<512xf32, #tpu.memory_space<hbm>>, %arg6: memref<512xf32, #tpu.memory_space<hbm>>, %arg7: memref<512xf32, #tpu.memory_space<hbm>>, %arg8: memref<8192xf32, #tpu.memory_space<hbm>>, %arg9: memref<512xf32, #tpu.memory_space<hbm>>, %arg10: memref<8192xf32, #tpu.memory_space<vmem>>, %arg11: memref<8192xf32, #tpu.memory_space<vmem>>, %arg12: memref<8192xf32, #tpu.memory_space<vmem>>, %arg13: memref<512xf32, #tpu.memory_space<vmem>>, %arg14: memref<512xf32, #tpu.memory_space<vmem>>, %arg15: memref<512xf32, #tpu.memory_space<vmem>>, %arg16: memref<8192xf32, #tpu.memory_space<vmem>>, %arg17: memref<512xf32, #tpu.memory_space<vmem>>, %arg18: memref<256xf32, #tpu.memory_space<vmem>>, %arg19: memref<16xf32, #tpu.memory_space<vmem>>) attributes {dimension_semantics = [#tpu.dimension_semantics<core_parallel>, #tpu.dimension_semantics<subcore_parallel>], iteration_bounds = array<i64: 2, 16>, scalar_prefetch = 0 : i64, scratch_operands = 10 : i64, tpu.core_type = #tpu.core_type<sc_vector_subcore>, window_params = [{transform_indices = #map}, {transform_indices = #map}, {transform_indices = #map}, {transform_indices = #map}, {transform_indices = #map}, {transform_indices = #map}, {transform_indices = #map}, {transform_indices = #map}]} {
    %mul3A = arith.constant 2 : i32
    %mul3A_0 = arith.muli %arg1, %mul3A : i32
    %add3A = arith.addi %mul3A_0, %arg0 : i32
    "tpu.region"() ({
      %run_scoped3A = tpu.sem_alloc : memref<!tpu.dma_semaphore, #tpu.memory_space<semaphore_mem>>
      tpu.enqueue_dma source(%arg2 : memref<8192xf32, #tpu.memory_space<hbm>>) target(%arg10 : memref<8192xf32, #tpu.memory_space<vmem>>) target_semaphore(%run_scoped3A : memref<!tpu.dma_semaphore, #tpu.memory_space<semaphore_mem>>)
      tpu.wait_dma2 semaphore(%run_scoped3A : memref<!tpu.dma_semaphore, #tpu.memory_space<semaphore_mem>>) src(%arg2 : memref<8192xf32, #tpu.memory_space<hbm>>) dst(%arg10 : memref<8192xf32, #tpu.memory_space<vmem>>)
      tpu.yield
    }) : () -> ()
    "tpu.region"() ({
      %run_scoped3A = tpu.sem_alloc : memref<!tpu.dma_semaphore, #tpu.memory_space<semaphore_mem>>
      tpu.enqueue_dma source(%arg3 : memref<8192xf32, #tpu.memory_space<hbm>>) target(%arg11 : memref<8192xf32, #tpu.memory_space<vmem>>) target_semaphore(%run_scoped3A : memref<!tpu.dma_semaphore, #tpu.memory_space<semaphore_mem>>)
      tpu.wait_dma2 semaphore(%run_scoped3A : memref<!tpu.dma_semaphore, #tpu.memory_space<semaphore_mem>>) src(%arg3 : memref<8192xf32, #tpu.memory_space<hbm>>) dst(%arg11 : memref<8192xf32, #tpu.memory_space<vmem>>)
      tpu.yield
    }) : () -> ()
    "tpu.region"() ({
      %run_scoped3A = tpu.sem_alloc : memref<!tpu.dma_semaphore, #tpu.memory_space<semaphore_mem>>
      tpu.enqueue_dma source(%arg4 : memref<8192xf32, #tpu.memory_space<hbm>>) target(%arg12 : memref<8192xf32, #tpu.memory_space<vmem>>) target_semaphore(%run_scoped3A : memref<!tpu.dma_semaphore, #tpu.memory_space<semaphore_mem>>)
      tpu.wait_dma2 semaphore(%run_scoped3A : memref<!tpu.dma_semaphore, #tpu.memory_space<semaphore_mem>>) src(%arg4 : memref<8192xf32, #tpu.memory_space<hbm>>) dst(%arg12 : memref<8192xf32, #tpu.memory_space<vmem>>)
      tpu.yield
    }) : () -> ()
    "tpu.region"() ({
      %run_scoped3A = tpu.sem_alloc : memref<!tpu.dma_semaphore, #tpu.memory_space<semaphore_mem>>
      tpu.enqueue_dma source(%arg5 : memref<512xf32, #tpu.memory_space<hbm>>) target(%arg13 : memref<512xf32, #tpu.memory_space<vmem>>) target_semaphore(%run_scoped3A : memref<!tpu.dma_semaphore, #tpu.memory_space<semaphore_mem>>)
      tpu.wait_dma2 semaphore(%run_scoped3A : memref<!tpu.dma_semaphore, #tpu.memory_space<semaphore_mem>>) src(%arg5 : memref<512xf32, #tpu.memory_space<hbm>>) dst(%arg13 : memref<512xf32, #tpu.memory_space<vmem>>)
      tpu.yield
    }) : () -> ()
    "tpu.region"() ({
      %run_scoped3A = tpu.sem_alloc : memref<!tpu.dma_semaphore, #tpu.memory_space<semaphore_mem>>
      tpu.enqueue_dma source(%arg6 : memref<512xf32, #tpu.memory_space<hbm>>) target(%arg14 : memref<512xf32, #tpu.memory_space<vmem>>) target_semaphore(%run_scoped3A : memref<!tpu.dma_semaphore, #tpu.memory_space<semaphore_mem>>)
      tpu.wait_dma2 semaphore(%run_scoped3A : memref<!tpu.dma_semaphore, #tpu.memory_space<semaphore_mem>>) src(%arg6 : memref<512xf32, #tpu.memory_space<hbm>>) dst(%arg14 : memref<512xf32, #tpu.memory_space<vmem>>)
      tpu.yield
    }) : () -> ()
    "tpu.region"() ({
      %run_scoped3A = tpu.sem_alloc : memref<!tpu.dma_semaphore, #tpu.memory_space<semaphore_mem>>
      tpu.enqueue_dma source(%arg7 : memref<512xf32, #tpu.memory_space<hbm>>) target(%arg15 : memref<512xf32, #tpu.memory_space<vmem>>) target_semaphore(%run_scoped3A : memref<!tpu.dma_semaphore, #tpu.memory_space<semaphore_mem>>)
      tpu.wait_dma2 semaphore(%run_scoped3A : memref<!tpu.dma_semaphore, #tpu.memory_space<semaphore_mem>>) src(%arg7 : memref<512xf32, #tpu.memory_space<hbm>>) dst(%arg15 : memref<512xf32, #tpu.memory_space<vmem>>)
      tpu.yield
    }) : () -> ()
    %scan3A = arith.constant 0 : i32
    %scan3A_1 = arith.constant 0 : i32
    %scan3A_2 = arith.constant 32 : i32
    %scan3A_3 = arith.addi %scan3A_1, %scan3A_2 : i32
    %scan3A_4 = arith.constant 4 : i32
    scf.for %scan3A_63 = %scan3A_1 to %scan3A_3 step %scan3A_4  : i32 {
      %mul3A_64 = arith.constant 16 : i32
      %mul3A_65 = arith.muli %scan3A_63, %mul3A_64 : i32
      %get3A_66 = arith.index_cast %mul3A_65 : i32 to index
      %get3A_67 = tpu.vector_load %arg13[%get3A_66] {strides = array<i32>} : memref<512xf32, #tpu.memory_space<vmem>>, vector<16xf32>,
      %get3A_68 = vector.shape_cast %get3A_67 : vector<16xf32> to vector<16xf32>
      %get3A_69 = arith.index_cast %mul3A_65 : i32 to index
      %get3A_70 = tpu.vector_load %arg14[%get3A_69] {strides = array<i32>} : memref<512xf32, #tpu.memory_space<vmem>>, vector<16xf32>,
      %get3A_71 = vector.shape_cast %get3A_70 : vector<16xf32> to vector<16xf32>
      %get3A_72 = arith.index_cast %mul3A_65 : i32 to index
      %get3A_73 = tpu.vector_load %arg15[%get3A_72] {strides = array<i32>} : memref<512xf32, #tpu.memory_space<vmem>>, vector<16xf32>,
      %get3A_74 = vector.shape_cast %get3A_73 : vector<16xf32> to vector<16xf32>
      %mul3A_75 = arith.mulf %get3A_68, %get3A_68 : vector<16xf32>
      %mul3A_76 = arith.mulf %get3A_71, %get3A_71 : vector<16xf32>
      %add3A_77 = arith.addf %mul3A_75, %mul3A_76 : vector<16xf32>
      %mul3A_78 = arith.mulf %get3A_74, %get3A_74 : vector<16xf32>
      %add3A_79 = arith.addf %add3A_77, %mul3A_78 : vector<16xf32>
      %mul3A_80 = arith.constant 5.000000e-01 : f32
      %mul3A_81 = vector.broadcast %mul3A_80 : f32 to vector<16xf32>
      %mul3A_82 = arith.mulf %mul3A_81, %add3A_79 : vector<16xf32>
      %swap3A_83 = arith.index_cast %mul3A_65 : i32 to index
      %swap3A_84 = tpu.vector_load %arg17[%swap3A_83] {strides = array<i32>} : memref<512xf32, #tpu.memory_space<vmem>>, vector<16xf32>,
      %swap3A_85 = vector.shape_cast %swap3A_84 : vector<16xf32> to vector<16xf32>
      %swap3A_86 = vector.shape_cast %mul3A_82 : vector<16xf32> to vector<16xf32>
      tpu.vector_store %arg17[%swap3A_83], %swap3A_86 {strides = array<i32>} : memref<512xf32, #tpu.memory_space<vmem>>, vector<16xf32>,
      %scan3A_87 = arith.constant 1 : i32
      %scan3A_88 = arith.addi %scan3A_63, %scan3A_87 : i32
      %mul3A_89 = arith.constant 16 : i32
      %mul3A_90 = arith.muli %scan3A_88, %mul3A_89 : i32
      %get3A_91 = arith.index_cast %mul3A_90 : i32 to index
      %get3A_92 = tpu.vector_load %arg13[%get3A_91] {strides = array<i32>} : memref<512xf32, #tpu.memory_space<vmem>>, vector<16xf32>,
      %get3A_93 = vector.shape_cast %get3A_92 : vector<16xf32> to vector<16xf32>
      %get3A_94 = arith.index_cast %mul3A_90 : i32 to index
      %get3A_95 = tpu.vector_load %arg14[%get3A_94] {strides = array<i32>} : memref<512xf32, #tpu.memory_space<vmem>>, vector<16xf32>,
      %get3A_96 = vector.shape_cast %get3A_95 : vector<16xf32> to vector<16xf32>
      %get3A_97 = arith.index_cast %mul3A_90 : i32 to index
      %get3A_98 = tpu.vector_load %arg15[%get3A_97] {strides = array<i32>} : memref<512xf32, #tpu.memory_space<vmem>>, vector<16xf32>,
      %get3A_99 = vector.shape_cast %get3A_98 : vector<16xf32> to vector<16xf32>
      %mul3A_100 = arith.mulf %get3A_93, %get3A_93 : vector<16xf32>
      %mul3A_101 = arith.mulf %get3A_96, %get3A_96 : vector<16xf32>
      %add3A_102 = arith.addf %mul3A_100, %mul3A_101 : vector<16xf32>
      %mul3A_103 = arith.mulf %get3A_99, %get3A_99 : vector<16xf32>
      %add3A_104 = arith.addf %add3A_102, %mul3A_103 : vector<16xf32>
      %mul3A_105 = arith.constant 5.000000e-01 : f32
      %mul3A_106 = vector.broadcast %mul3A_105 : f32 to vector<16xf32>
      %mul3A_107 = arith.mulf %mul3A_106, %add3A_104 : vector<16xf32>
      %swap3A_108 = arith.index_cast %mul3A_90 : i32 to index
      %swap3A_109 = tpu.vector_load %arg17[%swap3A_108] {strides = array<i32>} : memref<512xf32, #tpu.memory_space<vmem>>, vector<16xf32>,
      %swap3A_110 = vector.shape_cast %swap3A_109 : vector<16xf32> to vector<16xf32>
      %swap3A_111 = vector.shape_cast %mul3A_107 : vector<16xf32> to vector<16xf32>
      tpu.vector_store %arg17[%swap3A_108], %swap3A_111 {strides = array<i32>} : memref<512xf32, #tpu.memory_space<vmem>>, vector<16xf32>,
      %scan3A_112 = arith.constant 2 : i32
      %scan3A_113 = arith.addi %scan3A_63, %scan3A_112 : i32
      %mul3A_114 = arith.constant 16 : i32
      %mul3A_115 = arith.muli %scan3A_113, %mul3A_114 : i32
      %get3A_116 = arith.index_cast %mul3A_115 : i32 to index
      %get3A_117 = tpu.vector_load %arg13[%get3A_116] {strides = array<i32>} : memref<512xf32, #tpu.memory_space<vmem>>, vector<16xf32>,
      %get3A_118 = vector.shape_cast %get3A_117 : vector<16xf32> to vector<16xf32>
      %get3A_119 = arith.index_cast %mul3A_115 : i32 to index
      %get3A_120 = tpu.vector_load %arg14[%get3A_119] {strides = array<i32>} : memref<512xf32, #tpu.memory_space<vmem>>, vector<16xf32>,
      %get3A_121 = vector.shape_cast %get3A_120 : vector<16xf32> to vector<16xf32>
      %get3A_122 = arith.index_cast %mul3A_115 : i32 to index
      %get3A_123 = tpu.vector_load %arg15[%get3A_122] {strides = array<i32>} : memref<512xf32, #tpu.memory_space<vmem>>, vector<16xf32>,
      %get3A_124 = vector.shape_cast %get3A_123 : vector<16xf32> to vector<16xf32>
      %mul3A_125 = arith.mulf %get3A_118, %get3A_118 : vector<16xf32>
      %mul3A_126 = arith.mulf %get3A_121, %get3A_121 : vector<16xf32>
      %add3A_127 = arith.addf %mul3A_125, %mul3A_126 : vector<16xf32>
      %mul3A_128 = arith.mulf %get3A_124, %get3A_124 : vector<16xf32>
      %add3A_129 = arith.addf %add3A_127, %mul3A_128 : vector<16xf32>
      %mul3A_130 = arith.constant 5.000000e-01 : f32
      %mul3A_131 = vector.broadcast %mul3A_130 : f32 to vector<16xf32>
      %mul3A_132 = arith.mulf %mul3A_131, %add3A_129 : vector<16xf32>
      %swap3A_133 = arith.index_cast %mul3A_115 : i32 to index
      %swap3A_134 = tpu.vector_load %arg17[%swap3A_133] {strides = array<i32>} : memref<512xf32, #tpu.memory_space<vmem>>, vector<16xf32>,
      %swap3A_135 = vector.shape_cast %swap3A_134 : vector<16xf32> to vector<16xf32>
      %swap3A_136 = vector.shape_cast %mul3A_132 : vector<16xf32> to vector<16xf32>
      tpu.vector_store %arg17[%swap3A_133], %swap3A_136 {strides = array<i32>} : memref<512xf32, #tpu.memory_space<vmem>>, vector<16xf32>,
      %scan3A_137 = arith.constant 3 : i32
      %scan3A_138 = arith.addi %scan3A_63, %scan3A_137 : i32
      %mul3A_139 = arith.constant 16 : i32
      %mul3A_140 = arith.muli %scan3A_138, %mul3A_139 : i32
      %get3A_141 = arith.index_cast %mul3A_140 : i32 to index
      %get3A_142 = tpu.vector_load %arg13[%get3A_141] {strides = array<i32>} : memref<512xf32, #tpu.memory_space<vmem>>, vector<16xf32>,
      %get3A_143 = vector.shape_cast %get3A_142 : vector<16xf32> to vector<16xf32>
      %get3A_144 = arith.index_cast %mul3A_140 : i32 to index
      %get3A_145 = tpu.vector_load %arg14[%get3A_144] {strides = array<i32>} : memref<512xf32, #tpu.memory_space<vmem>>, vector<16xf32>,
      %get3A_146 = vector.shape_cast %get3A_145 : vector<16xf32> to vector<16xf32>
      %get3A_147 = arith.index_cast %mul3A_140 : i32 to index
      %get3A_148 = tpu.vector_load %arg15[%get3A_147] {strides = array<i32>} : memref<512xf32, #tpu.memory_space<vmem>>, vector<16xf32>,
      %get3A_149 = vector.shape_cast %get3A_148 : vector<16xf32> to vector<16xf32>
      %mul3A_150 = arith.mulf %get3A_143, %get3A_143 : vector<16xf32>
      %mul3A_151 = arith.mulf %get3A_146, %get3A_146 : vector<16xf32>
      %add3A_152 = arith.addf %mul3A_150, %mul3A_151 : vector<16xf32>
      %mul3A_153 = arith.mulf %get3A_149, %get3A_149 : vector<16xf32>
      %add3A_154 = arith.addf %add3A_152, %mul3A_153 : vector<16xf32>
      %mul3A_155 = arith.constant 5.000000e-01 : f32
      %mul3A_156 = vector.broadcast %mul3A_155 : f32 to vector<16xf32>
      %mul3A_157 = arith.mulf %mul3A_156, %add3A_154 : vector<16xf32>
      %swap3A_158 = arith.index_cast %mul3A_140 : i32 to index
      %swap3A_159 = tpu.vector_load %arg17[%swap3A_158] {strides = array<i32>} : memref<512xf32, #tpu.memory_space<vmem>>, vector<16xf32>,
      %swap3A_160 = vector.shape_cast %swap3A_159 : vector<16xf32> to vector<16xf32>
      %swap3A_161 = vector.shape_cast %mul3A_157 : vector<16xf32> to vector<16xf32>
      tpu.vector_store %arg17[%swap3A_158], %swap3A_161 {strides = array<i32>} : memref<512xf32, #tpu.memory_space<vmem>>, vector<16xf32>,
    }
    %scan3A_5 = arith.constant 32 : i32
    %scan3A_6 = arith.constant 0 : i32
    %scan3A_7 = arith.constant 0 : i32
    %scan3A_8 = arith.constant 512 : i32
    %scan3A_9 = arith.addi %scan3A_7, %scan3A_8 : i32
    %scan3A_10 = arith.constant 4 : i32
    scf.for %scan3A_63 = %scan3A_7 to %scan3A_9 step %scan3A_10  : i32 {
      %mul3A_64 = arith.constant 16 : i32
      %mul3A_65 = arith.muli %scan3A_63, %mul3A_64 : i32
      %get3A_66 = arith.index_cast %mul3A_65 : i32 to index
      %get3A_67 = tpu.vector_load %arg10[%get3A_66] {strides = array<i32>} : memref<8192xf32, #tpu.memory_space<vmem>>, vector<16xf32>,
      %get3A_68 = vector.shape_cast %get3A_67 : vector<16xf32> to vector<16xf32>
      %get3A_69 = arith.index_cast %mul3A_65 : i32 to index
      %get3A_70 = tpu.vector_load %arg11[%get3A_69] {strides = array<i32>} : memref<8192xf32, #tpu.memory_space<vmem>>, vector<16xf32>,
      %get3A_71 = vector.shape_cast %get3A_70 : vector<16xf32> to vector<16xf32>
      %get3A_72 = arith.index_cast %mul3A_65 : i32 to index
      %get3A_73 = tpu.vector_load %arg12[%get3A_72] {strides = array<i32>} : memref<8192xf32, #tpu.memory_space<vmem>>, vector<16xf32>,
      %get3A_74 = vector.shape_cast %get3A_73 : vector<16xf32> to vector<16xf32>
      %mul3A_75 = arith.mulf %get3A_68, %get3A_68 : vector<16xf32>
      %mul3A_76 = arith.mulf %get3A_71, %get3A_71 : vector<16xf32>
      %add3A_77 = arith.addf %mul3A_75, %mul3A_76 : vector<16xf32>
      %mul3A_78 = arith.mulf %get3A_74, %get3A_74 : vector<16xf32>
      %add3A_79 = arith.addf %add3A_77, %mul3A_78 : vector<16xf32>
      %mul3A_80 = arith.constant 5.000000e-01 : f32
      %mul3A_81 = vector.broadcast %mul3A_80 : f32 to vector<16xf32>
      %mul3A_82 = arith.mulf %mul3A_81, %add3A_79 : vector<16xf32>
      %swap3A_83 = arith.index_cast %mul3A_65 : i32 to index
      %swap3A_84 = tpu.vector_load %arg16[%swap3A_83] {strides = array<i32>} : memref<8192xf32, #tpu.memory_space<vmem>>, vector<16xf32>,
      %swap3A_85 = vector.shape_cast %swap3A_84 : vector<16xf32> to vector<16xf32>
      %swap3A_86 = vector.shape_cast %mul3A_82 : vector<16xf32> to vector<16xf32>
      tpu.vector_store %arg16[%swap3A_83], %swap3A_86 {strides = array<i32>} : memref<8192xf32, #tpu.memory_space<vmem>>, vector<16xf32>,
      %scan3A_87 = arith.constant 1 : i32
      %scan3A_88 = arith.addi %scan3A_63, %scan3A_87 : i32
      %mul3A_89 = arith.constant 16 : i32
      %mul3A_90 = arith.muli %scan3A_88, %mul3A_89 : i32
      %get3A_91 = arith.index_cast %mul3A_90 : i32 to index
      %get3A_92 = tpu.vector_load %arg10[%get3A_91] {strides = array<i32>} : memref<8192xf32, #tpu.memory_space<vmem>>, vector<16xf32>,
      %get3A_93 = vector.shape_cast %get3A_92 : vector<16xf32> to vector<16xf32>
      %get3A_94 = arith.index_cast %mul3A_90 : i32 to index
      %get3A_95 = tpu.vector_load %arg11[%get3A_94] {strides = array<i32>} : memref<8192xf32, #tpu.memory_space<vmem>>, vector<16xf32>,
      %get3A_96 = vector.shape_cast %get3A_95 : vector<16xf32> to vector<16xf32>
      %get3A_97 = arith.index_cast %mul3A_90 : i32 to index
      %get3A_98 = tpu.vector_load %arg12[%get3A_97] {strides = array<i32>} : memref<8192xf32, #tpu.memory_space<vmem>>, vector<16xf32>,
      %get3A_99 = vector.shape_cast %get3A_98 : vector<16xf32> to vector<16xf32>
      %mul3A_100 = arith.mulf %get3A_93, %get3A_93 : vector<16xf32>
      %mul3A_101 = arith.mulf %get3A_96, %get3A_96 : vector<16xf32>
      %add3A_102 = arith.addf %mul3A_100, %mul3A_101 : vector<16xf32>
      %mul3A_103 = arith.mulf %get3A_99, %get3A_99 : vector<16xf32>
      %add3A_104 = arith.addf %add3A_102, %mul3A_103 : vector<16xf32>
      %mul3A_105 = arith.constant 5.000000e-01 : f32
      %mul3A_106 = vector.broadcast %mul3A_105 : f32 to vector<16xf32>
      %mul3A_107 = arith.mulf %mul3A_106, %add3A_104 : vector<16xf32>
      %swap3A_108 = arith.index_cast %mul3A_90 : i32 to index
      %swap3A_109 = tpu.vector_load %arg16[%swap3A_108] {strides = array<i32>} : memref<8192xf32, #tpu.memory_space<vmem>>, vector<16xf32>,
      %swap3A_110 = vector.shape_cast %swap3A_109 : vector<16xf32> to vector<16xf32>
      %swap3A_111 = vector.shape_cast %mul3A_107 : vector<16xf32> to vector<16xf32>
      tpu.vector_store %arg16[%swap3A_108], %swap3A_111 {strides = array<i32>} : memref<8192xf32, #tpu.memory_space<vmem>>, vector<16xf32>,
      %scan3A_112 = arith.constant 2 : i32
      %scan3A_113 = arith.addi %scan3A_63, %scan3A_112 : i32
      %mul3A_114 = arith.constant 16 : i32
      %mul3A_115 = arith.muli %scan3A_113, %mul3A_114 : i32
      %get3A_116 = arith.index_cast %mul3A_115 : i32 to index
      %get3A_117 = tpu.vector_load %arg10[%get3A_116] {strides = array<i32>} : memref<8192xf32, #tpu.memory_space<vmem>>, vector<16xf32>,
      %get3A_118 = vector.shape_cast %get3A_117 : vector<16xf32> to vector<16xf32>
      %get3A_119 = arith.index_cast %mul3A_115 : i32 to index
      %get3A_120 = tpu.vector_load %arg11[%get3A_119] {strides = array<i32>} : memref<8192xf32, #tpu.memory_space<vmem>>, vector<16xf32>,
      %get3A_121 = vector.shape_cast %get3A_120 : vector<16xf32> to vector<16xf32>
      %get3A_122 = arith.index_cast %mul3A_115 : i32 to index
      %get3A_123 = tpu.vector_load %arg12[%get3A_122] {strides = array<i32>} : memref<8192xf32, #tpu.memory_space<vmem>>, vector<16xf32>,
      %get3A_124 = vector.shape_cast %get3A_123 : vector<16xf32> to vector<16xf32>
      %mul3A_125 = arith.mulf %get3A_118, %get3A_118 : vector<16xf32>
      %mul3A_126 = arith.mulf %get3A_121, %get3A_121 : vector<16xf32>
      %add3A_127 = arith.addf %mul3A_125, %mul3A_126 : vector<16xf32>
      %mul3A_128 = arith.mulf %get3A_124, %get3A_124 : vector<16xf32>
      %add3A_129 = arith.addf %add3A_127, %mul3A_128 : vector<16xf32>
      %mul3A_130 = arith.constant 5.000000e-01 : f32
      %mul3A_131 = vector.broadcast %mul3A_130 : f32 to vector<16xf32>
      %mul3A_132 = arith.mulf %mul3A_131, %add3A_129 : vector<16xf32>
      %swap3A_133 = arith.index_cast %mul3A_115 : i32 to index
      %swap3A_134 = tpu.vector_load %arg16[%swap3A_133] {strides = array<i32>} : memref<8192xf32, #tpu.memory_space<vmem>>, vector<16xf32>,
      %swap3A_135 = vector.shape_cast %swap3A_134 : vector<16xf32> to vector<16xf32>
      %swap3A_136 = vector.shape_cast %mul3A_132 : vector<16xf32> to vector<16xf32>
      tpu.vector_store %arg16[%swap3A_133], %swap3A_136 {strides = array<i32>} : memref<8192xf32, #tpu.memory_space<vmem>>, vector<16xf32>,
      %scan3A_137 = arith.constant 3 : i32
      %scan3A_138 = arith.addi %scan3A_63, %scan3A_137 : i32
      %mul3A_139 = arith.constant 16 : i32
      %mul3A_140 = arith.muli %scan3A_138, %mul3A_139 : i32
      %get3A_141 = arith.index_cast %mul3A_140 : i32 to index
      %get3A_142 = tpu.vector_load %arg10[%get3A_141] {strides = array<i32>} : memref<8192xf32, #tpu.memory_space<vmem>>, vector<16xf32>,
      %get3A_143 = vector.shape_cast %get3A_142 : vector<16xf32> to vector<16xf32>
      %get3A_144 = arith.index_cast %mul3A_140 : i32 to index
      %get3A_145 = tpu.vector_load %arg11[%get3A_144] {strides = array<i32>} : memref<8192xf32, #tpu.memory_space<vmem>>, vector<16xf32>,
      %get3A_146 = vector.shape_cast %get3A_145 : vector<16xf32> to vector<16xf32>
      %get3A_147 = arith.index_cast %mul3A_140 : i32 to index
      %get3A_148 = tpu.vector_load %arg12[%get3A_147] {strides = array<i32>} : memref<8192xf32, #tpu.memory_space<vmem>>, vector<16xf32>,
      %get3A_149 = vector.shape_cast %get3A_148 : vector<16xf32> to vector<16xf32>
      %mul3A_150 = arith.mulf %get3A_143, %get3A_143 : vector<16xf32>
      %mul3A_151 = arith.mulf %get3A_146, %get3A_146 : vector<16xf32>
      %add3A_152 = arith.addf %mul3A_150, %mul3A_151 : vector<16xf32>
      %mul3A_153 = arith.mulf %get3A_149, %get3A_149 : vector<16xf32>
      %add3A_154 = arith.addf %add3A_152, %mul3A_153 : vector<16xf32>
      %mul3A_155 = arith.constant 5.000000e-01 : f32
      %mul3A_156 = vector.broadcast %mul3A_155 : f32 to vector<16xf32>
      %mul3A_157 = arith.mulf %mul3A_156, %add3A_154 : vector<16xf32>
      %swap3A_158 = arith.index_cast %mul3A_140 : i32 to index
      %swap3A_159 = tpu.vector_load %arg16[%swap3A_158] {strides = array<i32>} : memref<8192xf32, #tpu.memory_space<vmem>>, vector<16xf32>,
      %swap3A_160 = vector.shape_cast %swap3A_159 : vector<16xf32> to vector<16xf32>
      %swap3A_161 = vector.shape_cast %mul3A_157 : vector<16xf32> to vector<16xf32>
      tpu.vector_store %arg16[%swap3A_158], %swap3A_161 {strides = array<i32>} : memref<8192xf32, #tpu.memory_space<vmem>>, vector<16xf32>,
    }
    %scan3A_11 = arith.constant 512 : i32
    %mul3A_12 = arith.constant 256 : i32
    %mul3A_13 = arith.muli %add3A, %mul3A_12 : i32
    %scan3A_14 = arith.constant 0 : i32
    %scan3A_15 = arith.constant 0 : i32
    %scan3A_16 = arith.constant 2 : i32
    %scan3A_17 = arith.addi %scan3A_15, %scan3A_16 : i32
    %scan3A_18 = arith.constant 1 : i32
    scf.for %scan3A_63 = %scan3A_15 to %scan3A_17 step %scan3A_18  : i32 {
      %mul3A_64 = arith.constant 128 : i32
      %mul3A_65 = arith.muli %scan3A_63, %mul3A_64 : i32
      %add3A_66 = arith.addi %mul3A_13, %mul3A_65 : i32
      %add3A_67 = arith.constant 0 : i32
      %add3A_68 = arith.addi %add3A_66, %add3A_67 : i32
      %get3A_69 = arith.index_cast %add3A_68 : i32 to index
      %get3A_70 = tpu.vector_load %arg10[%get3A_69] {strides = array<i32>} : memref<8192xf32, #tpu.memory_space<vmem>>, vector<16xf32>,
      %get3A_71 = vector.shape_cast %get3A_70 : vector<16xf32> to vector<16xf32>
      %get3A_72 = arith.index_cast %add3A_68 : i32 to index
      %get3A_73 = tpu.vector_load %arg11[%get3A_72] {strides = array<i32>} : memref<8192xf32, #tpu.memory_space<vmem>>, vector<16xf32>,
      %get3A_74 = vector.shape_cast %get3A_73 : vector<16xf32> to vector<16xf32>
      %get3A_75 = arith.index_cast %add3A_68 : i32 to index
      %get3A_76 = tpu.vector_load %arg12[%get3A_75] {strides = array<i32>} : memref<8192xf32, #tpu.memory_space<vmem>>, vector<16xf32>,
      %get3A_77 = vector.shape_cast %get3A_76 : vector<16xf32> to vector<16xf32>
      %mul3A_78 = arith.constant 128 : i32
      %mul3A_79 = arith.muli %scan3A_63, %mul3A_78 : i32
      %add3A_80 = arith.addi %mul3A_13, %mul3A_79 : i32
      %add3A_81 = arith.constant 16 : i32
      %add3A_82 = arith.addi %add3A_80, %add3A_81 : i32
      %get3A_83 = arith.index_cast %add3A_82 : i32 to index
      %get3A_84 = tpu.vector_load %arg10[%get3A_83] {strides = array<i32>} : memref<8192xf32, #tpu.memory_space<vmem>>, vector<16xf32>,
      %get3A_85 = vector.shape_cast %get3A_84 : vector<16xf32> to vector<16xf32>
      %get3A_86 = arith.index_cast %add3A_82 : i32 to index
      %get3A_87 = tpu.vector_load %arg11[%get3A_86] {strides = array<i32>} : memref<8192xf32, #tpu.memory_space<vmem>>, vector<16xf32>,
      %get3A_88 = vector.shape_cast %get3A_87 : vector<16xf32> to vector<16xf32>
      %get3A_89 = arith.index_cast %add3A_82 : i32 to index
      %get3A_90 = tpu.vector_load %arg12[%get3A_89] {strides = array<i32>} : memref<8192xf32, #tpu.memory_space<vmem>>, vector<16xf32>,
      %get3A_91 = vector.shape_cast %get3A_90 : vector<16xf32> to vector<16xf32>
      %mul3A_92 = arith.constant 128 : i32
      %mul3A_93 = arith.muli %scan3A_63, %mul3A_92 : i32
      %add3A_94 = arith.addi %mul3A_13, %mul3A_93 : i32
      %add3A_95 = arith.constant 32 : i32
      %add3A_96 = arith.addi %add3A_94, %add3A_95 : i32
      %get3A_97 = arith.index_cast %add3A_96 : i32 to index
      %get3A_98 = tpu.vector_load %arg10[%get3A_97] {strides = array<i32>} : memref<8192xf32, #tpu.memory_space<vmem>>, vector<16xf32>,
      %get3A_99 = vector.shape_cast %get3A_98 : vector<16xf32> to vector<16xf32>
      %get3A_100 = arith.index_cast %add3A_96 : i32 to index
      %get3A_101 = tpu.vector_load %arg11[%get3A_100] {strides = array<i32>} : memref<8192xf32, #tpu.memory_space<vmem>>, vector<16xf32>,
      %get3A_102 = vector.shape_cast %get3A_101 : vector<16xf32> to vector<16xf32>
      %get3A_103 = arith.index_cast %add3A_96 : i32 to index
      %get3A_104 = tpu.vector_load %arg12[%get3A_103] {strides = array<i32>} : memref<8192xf32, #tpu.memory_space<vmem>>, vector<16xf32>,
      %get3A_105 = vector.shape_cast %get3A_104 : vector<16xf32> to vector<16xf32>
      %mul3A_106 = arith.constant 128 : i32
      %mul3A_107 = arith.muli %scan3A_63, %mul3A_106 : i32
      %add3A_108 = arith.addi %mul3A_13, %mul3A_107 : i32
      %add3A_109 = arith.constant 48 : i32
      %add3A_110 = arith.addi %add3A_108, %add3A_109 : i32
      %get3A_111 = arith.index_cast %add3A_110 : i32 to index
      %get3A_112 = tpu.vector_load %arg10[%get3A_111] {strides = array<i32>} : memref<8192xf32, #tpu.memory_space<vmem>>, vector<16xf32>,
      %get3A_113 = vector.shape_cast %get3A_112 : vector<16xf32> to vector<16xf32>
      %get3A_114 = arith.index_cast %add3A_110 : i32 to index
      %get3A_115 = tpu.vector_load %arg11[%get3A_114] {strides = array<i32>} : memref<8192xf32, #tpu.memory_space<vmem>>, vector<16xf32>,
      %get3A_116 = vector.shape_cast %get3A_115 : vector<16xf32> to vector<16xf32>
      %get3A_117 = arith.index_cast %add3A_110 : i32 to index
      %get3A_118 = tpu.vector_load %arg12[%get3A_117] {strides = array<i32>} : memref<8192xf32, #tpu.memory_space<vmem>>, vector<16xf32>,
      %get3A_119 = vector.shape_cast %get3A_118 : vector<16xf32> to vector<16xf32>
      %mul3A_120 = arith.constant 128 : i32
      %mul3A_121 = arith.muli %scan3A_63, %mul3A_120 : i32
      %add3A_122 = arith.addi %mul3A_13, %mul3A_121 : i32
      %add3A_123 = arith.constant 64 : i32
      %add3A_124 = arith.addi %add3A_122, %add3A_123 : i32
      %get3A_125 = arith.index_cast %add3A_124 : i32 to index
      %get3A_126 = tpu.vector_load %arg10[%get3A_125] {strides = array<i32>} : memref<8192xf32, #tpu.memory_space<vmem>>, vector<16xf32>,
      %get3A_127 = vector.shape_cast %get3A_126 : vector<16xf32> to vector<16xf32>
      %get3A_128 = arith.index_cast %add3A_124 : i32 to index
      %get3A_129 = tpu.vector_load %arg11[%get3A_128] {strides = array<i32>} : memref<8192xf32, #tpu.memory_space<vmem>>, vector<16xf32>,
      %get3A_130 = vector.shape_cast %get3A_129 : vector<16xf32> to vector<16xf32>
      %get3A_131 = arith.index_cast %add3A_124 : i32 to index
      %get3A_132 = tpu.vector_load %arg12[%get3A_131] {strides = array<i32>} : memref<8192xf32, #tpu.memory_space<vmem>>, vector<16xf32>,
      %get3A_133 = vector.shape_cast %get3A_132 : vector<16xf32> to vector<16xf32>
      %mul3A_134 = arith.constant 128 : i32
      %mul3A_135 = arith.muli %scan3A_63, %mul3A_134 : i32
      %add3A_136 = arith.addi %mul3A_13, %mul3A_135 : i32
      %add3A_137 = arith.constant 80 : i32
      %add3A_138 = arith.addi %add3A_136, %add3A_137 : i32
      %get3A_139 = arith.index_cast %add3A_138 : i32 to index
      %get3A_140 = tpu.vector_load %arg10[%get3A_139] {strides = array<i32>} : memref<8192xf32, #tpu.memory_space<vmem>>, vector<16xf32>,
      %get3A_141 = vector.shape_cast %get3A_140 : vector<16xf32> to vector<16xf32>
      %get3A_142 = arith.index_cast %add3A_138 : i32 to index
      %get3A_143 = tpu.vector_load %arg11[%get3A_142] {strides = array<i32>} : memref<8192xf32, #tpu.memory_space<vmem>>, vector<16xf32>,
      %get3A_144 = vector.shape_cast %get3A_143 : vector<16xf32> to vector<16xf32>
      %get3A_145 = arith.index_cast %add3A_138 : i32 to index
      %get3A_146 = tpu.vector_load %arg12[%get3A_145] {strides = array<i32>} : memref<8192xf32, #tpu.memory_space<vmem>>, vector<16xf32>,
      %get3A_147 = vector.shape_cast %get3A_146 : vector<16xf32> to vector<16xf32>
      %mul3A_148 = arith.constant 128 : i32
      %mul3A_149 = arith.muli %scan3A_63, %mul3A_148 : i32
      %add3A_150 = arith.addi %mul3A_13, %mul3A_149 : i32
      %add3A_151 = arith.constant 96 : i32
      %add3A_152 = arith.addi %add3A_150, %add3A_151 : i32
      %get3A_153 = arith.index_cast %add3A_152 : i32 to index
      %get3A_154 = tpu.vector_load %arg10[%get3A_153] {strides = array<i32>} : memref<8192xf32, #tpu.memory_space<vmem>>, vector<16xf32>,
      %get3A_155 = vector.shape_cast %get3A_154 : vector<16xf32> to vector<16xf32>
      %get3A_156 = arith.index_cast %add3A_152 : i32 to index
      %get3A_157 = tpu.vector_load %arg11[%get3A_156] {strides = array<i32>} : memref<8192xf32, #tpu.memory_space<vmem>>, vector<16xf32>,
      %get3A_158 = vector.shape_cast %get3A_157 : vector<16xf32> to vector<16xf32>
      %get3A_159 = arith.index_cast %add3A_152 : i32 to index
      %get3A_160 = tpu.vector_load %arg12[%get3A_159] {strides = array<i32>} : memref<8192xf32, #tpu.memory_space<vmem>>, vector<16xf32>,
      %get3A_161 = vector.shape_cast %get3A_160 : vector<16xf32> to vector<16xf32>
      %mul3A_162 = arith.constant 128 : i32
      %mul3A_163 = arith.muli %scan3A_63, %mul3A_162 : i32
      %add3A_164 = arith.addi %mul3A_13, %mul3A_163 : i32
      %add3A_165 = arith.constant 112 : i32
      %add3A_166 = arith.addi %add3A_164, %add3A_165 : i32
      %get3A_167 = arith.index_cast %add3A_166 : i32 to index
      %get3A_168 = tpu.vector_load %arg10[%get3A_167] {strides = array<i32>} : memref<8192xf32, #tpu.memory_space<vmem>>, vector<16xf32>,
      %get3A_169 = vector.shape_cast %get3A_168 : vector<16xf32> to vector<16xf32>
      %get3A_170 = arith.index_cast %add3A_166 : i32 to index
      %get3A_171 = tpu.vector_load %arg11[%get3A_170] {strides = array<i32>} : memref<8192xf32, #tpu.memory_space<vmem>>, vector<16xf32>,
      %get3A_172 = vector.shape_cast %get3A_171 : vector<16xf32> to vector<16xf32>
      %get3A_173 = arith.index_cast %add3A_166 : i32 to index
      %get3A_174 = tpu.vector_load %arg12[%get3A_173] {strides = array<i32>} : memref<8192xf32, #tpu.memory_space<vmem>>, vector<16xf32>,
      %get3A_175 = vector.shape_cast %get3A_174 : vector<16xf32> to vector<16xf32>
      %broadcast_in_dim3A_176 = arith.constant 0xFF800000 : f32
      %broadcast_in_dim3A_177 = vector.broadcast %broadcast_in_dim3A_176 : f32 to vector<16xf32>
      %parallel_loop3A_178 = arith.constant 0 : i32
      %parallel_loop3A_179 = arith.constant 32 : i32
      %parallel_loop3A_180 = arith.constant 1 : i32
      %parallel_loop3A_181:8 = scf.for %parallel_loop3A_342 = %parallel_loop3A_178 to %parallel_loop3A_179 step %parallel_loop3A_180 iter_args(%parallel_loop3A_343 = %broadcast_in_dim3A_177, %parallel_loop3A_344 = %broadcast_in_dim3A_177, %parallel_loop3A_345 = %broadcast_in_dim3A_177, %parallel_loop3A_346 = %broadcast_in_dim3A_177, %parallel_loop3A_347 = %broadcast_in_dim3A_177, %parallel_loop3A_348 = %broadcast_in_dim3A_177, %parallel_loop3A_349 = %broadcast_in_dim3A_177, %parallel_loop3A_350 = %broadcast_in_dim3A_177) -> (vector<16xf32>, vector<16xf32>, vector<16xf32>, vector<16xf32>, vector<16xf32>, vector<16xf32>, vector<16xf32>, vector<16xf32>)  : i32 {
        %parallel_loop3A_351 = arith.constant 16 : i32
        %parallel_loop3A_352 = arith.muli %parallel_loop3A_342, %parallel_loop3A_351 : i32
        %parallel_loop3A_353 = arith.index_cast %parallel_loop3A_352 : i32 to index
        %parallel_loop3A_354 = tpu.vector_load %arg13[%parallel_loop3A_353] {strides = array<i32>} : memref<512xf32, #tpu.memory_space<vmem>>, vector<16xf32>,
        %parallel_loop3A_355 = vector.shape_cast %parallel_loop3A_354 : vector<16xf32> to vector<16xf32>
        %parallel_loop3A_356 = arith.index_cast %parallel_loop3A_352 : i32 to index
        %parallel_loop3A_357 = tpu.vector_load %arg14[%parallel_loop3A_356] {strides = array<i32>} : memref<512xf32, #tpu.memory_space<vmem>>, vector<16xf32>,
        %parallel_loop3A_358 = vector.shape_cast %parallel_loop3A_357 : vector<16xf32> to vector<16xf32>
        %parallel_loop3A_359 = arith.index_cast %parallel_loop3A_352 : i32 to index
        %parallel_loop3A_360 = tpu.vector_load %arg15[%parallel_loop3A_359] {strides = array<i32>} : memref<512xf32, #tpu.memory_space<vmem>>, vector<16xf32>,
        %parallel_loop3A_361 = vector.shape_cast %parallel_loop3A_360 : vector<16xf32> to vector<16xf32>
        %parallel_loop3A_362 = arith.index_cast %parallel_loop3A_352 : i32 to index
        %parallel_loop3A_363 = tpu.vector_load %arg17[%parallel_loop3A_362] {strides = array<i32>} : memref<512xf32, #tpu.memory_space<vmem>>, vector<16xf32>,
        %parallel_loop3A_364 = vector.shape_cast %parallel_loop3A_363 : vector<16xf32> to vector<16xf32>
        %parallel_loop3A_365 = arith.constant 0 : i32
        %parallel_loop3A_366 = arith.constant 4 : i32
        %parallel_loop3A_367 = arith.addi %parallel_loop3A_365, %parallel_loop3A_366 : i32
        %parallel_loop3A_368 = arith.constant 1 : i32
        %parallel_loop3A_369:8 = scf.for %scan3A_371 = %parallel_loop3A_365 to %parallel_loop3A_367 step %parallel_loop3A_368 iter_args(%scan3A_372 = %parallel_loop3A_343, %scan3A_373 = %parallel_loop3A_344, %scan3A_374 = %parallel_loop3A_345, %scan3A_375 = %parallel_loop3A_346, %scan3A_376 = %parallel_loop3A_347, %scan3A_377 = %parallel_loop3A_348, %scan3A_378 = %parallel_loop3A_349, %scan3A_379 = %parallel_loop3A_350) -> (vector<16xf32>, vector<16xf32>, vector<16xf32>, vector<16xf32>, vector<16xf32>, vector<16xf32>, vector<16xf32>, vector<16xf32>)  : i32 {
          %parallel_loop3A_380 = arith.constant 4 : i32
          %parallel_loop3A_381 = arith.muli %scan3A_371, %parallel_loop3A_380 : i32
          %parallel_loop3A_382 = arith.constant 0 : i32
          %parallel_loop3A_383 = arith.addi %parallel_loop3A_381, %parallel_loop3A_382 : i32
          %parallel_loop3A_384 = vector.broadcast %parallel_loop3A_383 : i32 to vector<16xi32>
          %parallel_loop3A_385 = vector.shape_cast %parallel_loop3A_384 : vector<16xi32> to vector<16x1xi32>
          %parallel_loop3A_386 = vector.shape_cast %parallel_loop3A_385 : vector<16x1xi32> to vector<16xi32>
          %parallel_loop3A_387 = tpu.dynamic_gather %parallel_loop3A_355[%parallel_loop3A_386] in [0] : vector<16xf32>, vector<16xi32> -> vector<16xf32>
          %parallel_loop3A_388 = vector.broadcast %parallel_loop3A_383 : i32 to vector<16xi32>
          %parallel_loop3A_389 = vector.shape_cast %parallel_loop3A_388 : vector<16xi32> to vector<16x1xi32>
          %parallel_loop3A_390 = vector.shape_cast %parallel_loop3A_389 : vector<16x1xi32> to vector<16xi32>
          %parallel_loop3A_391 = tpu.dynamic_gather %parallel_loop3A_358[%parallel_loop3A_390] in [0] : vector<16xf32>, vector<16xi32> -> vector<16xf32>
          %parallel_loop3A_392 = vector.broadcast %parallel_loop3A_383 : i32 to vector<16xi32>
          %parallel_loop3A_393 = vector.shape_cast %parallel_loop3A_392 : vector<16xi32> to vector<16x1xi32>
          %parallel_loop3A_394 = vector.shape_cast %parallel_loop3A_393 : vector<16x1xi32> to vector<16xi32>
          %parallel_loop3A_395 = tpu.dynamic_gather %parallel_loop3A_361[%parallel_loop3A_394] in [0] : vector<16xf32>, vector<16xi32> -> vector<16xf32>
          %parallel_loop3A_396 = vector.broadcast %parallel_loop3A_383 : i32 to vector<16xi32>
          %parallel_loop3A_397 = vector.shape_cast %parallel_loop3A_396 : vector<16xi32> to vector<16x1xi32>
          %parallel_loop3A_398 = vector.shape_cast %parallel_loop3A_397 : vector<16x1xi32> to vector<16xi32>
          %parallel_loop3A_399 = tpu.dynamic_gather %parallel_loop3A_364[%parallel_loop3A_398] in [0] : vector<16xf32>, vector<16xi32> -> vector<16xf32>
          %parallel_loop3A_400 = arith.mulf %get3A_71, %parallel_loop3A_387 : vector<16xf32>
          %parallel_loop3A_401 = arith.mulf %get3A_74, %parallel_loop3A_391 : vector<16xf32>
          %parallel_loop3A_402 = arith.addf %parallel_loop3A_400, %parallel_loop3A_401 : vector<16xf32>
          %parallel_loop3A_403 = arith.mulf %get3A_77, %parallel_loop3A_395 : vector<16xf32>
          %parallel_loop3A_404 = arith.addf %parallel_loop3A_402, %parallel_loop3A_403 : vector<16xf32>
          %parallel_loop3A_405 = arith.subf %parallel_loop3A_404, %parallel_loop3A_399 : vector<16xf32>
          %parallel_loop3A_406 = arith.maximumf %scan3A_372, %parallel_loop3A_405 : vector<16xf32>
          %parallel_loop3A_407 = arith.mulf %get3A_85, %parallel_loop3A_387 : vector<16xf32>
          %parallel_loop3A_408 = arith.mulf %get3A_88, %parallel_loop3A_391 : vector<16xf32>
          %parallel_loop3A_409 = arith.addf %parallel_loop3A_407, %parallel_loop3A_408 : vector<16xf32>
          %parallel_loop3A_410 = arith.mulf %get3A_91, %parallel_loop3A_395 : vector<16xf32>
          %parallel_loop3A_411 = arith.addf %parallel_loop3A_409, %parallel_loop3A_410 : vector<16xf32>
          %parallel_loop3A_412 = arith.subf %parallel_loop3A_411, %parallel_loop3A_399 : vector<16xf32>
          %parallel_loop3A_413 = arith.maximumf %scan3A_373, %parallel_loop3A_412 : vector<16xf32>
          %parallel_loop3A_414 = arith.mulf %get3A_99, %parallel_loop3A_387 : vector<16xf32>
          %parallel_loop3A_415 = arith.mulf %get3A_102, %parallel_loop3A_391 : vector<16xf32>
          %parallel_loop3A_416 = arith.addf %parallel_loop3A_414, %parallel_loop3A_415 : vector<16xf32>
          %parallel_loop3A_417 = arith.mulf %get3A_105, %parallel_loop3A_395 : vector<16xf32>
          %parallel_loop3A_418 = arith.addf %parallel_loop3A_416, %parallel_loop3A_417 : vector<16xf32>
          %parallel_loop3A_419 = arith.subf %parallel_loop3A_418, %parallel_loop3A_399 : vector<16xf32>
          %parallel_loop3A_420 = arith.maximumf %scan3A_374, %parallel_loop3A_419 : vector<16xf32>
          %parallel_loop3A_421 = arith.mulf %get3A_113, %parallel_loop3A_387 : vector<16xf32>
          %parallel_loop3A_422 = arith.mulf %get3A_116, %parallel_loop3A_391 : vector<16xf32>
          %parallel_loop3A_423 = arith.addf %parallel_loop3A_421, %parallel_loop3A_422 : vector<16xf32>
          %parallel_loop3A_424 = arith.mulf %get3A_119, %parallel_loop3A_395 : vector<16xf32>
          %parallel_loop3A_425 = arith.addf %parallel_loop3A_423, %parallel_loop3A_424 : vector<16xf32>
          %parallel_loop3A_426 = arith.subf %parallel_loop3A_425, %parallel_loop3A_399 : vector<16xf32>
          %parallel_loop3A_427 = arith.maximumf %scan3A_375, %parallel_loop3A_426 : vector<16xf32>
          %parallel_loop3A_428 = arith.mulf %get3A_127, %parallel_loop3A_387 : vector<16xf32>
          %parallel_loop3A_429 = arith.mulf %get3A_130, %parallel_loop3A_391 : vector<16xf32>
          %parallel_loop3A_430 = arith.addf %parallel_loop3A_428, %parallel_loop3A_429 : vector<16xf32>
          %parallel_loop3A_431 = arith.mulf %get3A_133, %parallel_loop3A_395 : vector<16xf32>
          %parallel_loop3A_432 = arith.addf %parallel_loop3A_430, %parallel_loop3A_431 : vector<16xf32>
          %parallel_loop3A_433 = arith.subf %parallel_loop3A_432, %parallel_loop3A_399 : vector<16xf32>
          %parallel_loop3A_434 = arith.maximumf %scan3A_376, %parallel_loop3A_433 : vector<16xf32>
          %parallel_loop3A_435 = arith.mulf %get3A_141, %parallel_loop3A_387 : vector<16xf32>
          %parallel_loop3A_436 = arith.mulf %get3A_144, %parallel_loop3A_391 : vector<16xf32>
          %parallel_loop3A_437 = arith.addf %parallel_loop3A_435, %parallel_loop3A_436 : vector<16xf32>
          %parallel_loop3A_438 = arith.mulf %get3A_147, %parallel_loop3A_395 : vector<16xf32>
          %parallel_loop3A_439 = arith.addf %parallel_loop3A_437, %parallel_loop3A_438 : vector<16xf32>
          %parallel_loop3A_440 = arith.subf %parallel_loop3A_439, %parallel_loop3A_399 : vector<16xf32>
          %parallel_loop3A_441 = arith.maximumf %scan3A_377, %parallel_loop3A_440 : vector<16xf32>
          %parallel_loop3A_442 = arith.mulf %get3A_155, %parallel_loop3A_387 : vector<16xf32>
          %parallel_loop3A_443 = arith.mulf %get3A_158, %parallel_loop3A_391 : vector<16xf32>
          %parallel_loop3A_444 = arith.addf %parallel_loop3A_442, %parallel_loop3A_443 : vector<16xf32>
          %parallel_loop3A_445 = arith.mulf %get3A_161, %parallel_loop3A_395 : vector<16xf32>
          %parallel_loop3A_446 = arith.addf %parallel_loop3A_444, %parallel_loop3A_445 : vector<16xf32>
          %parallel_loop3A_447 = arith.subf %parallel_loop3A_446, %parallel_loop3A_399 : vector<16xf32>
          %parallel_loop3A_448 = arith.maximumf %scan3A_378, %parallel_loop3A_447 : vector<16xf32>
          %parallel_loop3A_449 = arith.mulf %get3A_169, %parallel_loop3A_387 : vector<16xf32>
          %parallel_loop3A_450 = arith.mulf %get3A_172, %parallel_loop3A_391 : vector<16xf32>
          %parallel_loop3A_451 = arith.addf %parallel_loop3A_449, %parallel_loop3A_450 : vector<16xf32>
          %parallel_loop3A_452 = arith.mulf %get3A_175, %parallel_loop3A_395 : vector<16xf32>
          %parallel_loop3A_453 = arith.addf %parallel_loop3A_451, %parallel_loop3A_452 : vector<16xf32>
          %parallel_loop3A_454 = arith.subf %parallel_loop3A_453, %parallel_loop3A_399 : vector<16xf32>
          %parallel_loop3A_455 = arith.maximumf %scan3A_379, %parallel_loop3A_454 : vector<16xf32>
          %parallel_loop3A_456 = arith.constant 4 : i32
          %parallel_loop3A_457 = arith.muli %scan3A_371, %parallel_loop3A_456 : i32
          %parallel_loop3A_458 = arith.constant 1 : i32
          %parallel_loop3A_459 = arith.addi %parallel_loop3A_457, %parallel_loop3A_458 : i32
          %parallel_loop3A_460 = vector.broadcast %parallel_loop3A_459 : i32 to vector<16xi32>
          %parallel_loop3A_461 = vector.shape_cast %parallel_loop3A_460 : vector<16xi32> to vector<16x1xi32>
          %parallel_loop3A_462 = vector.shape_cast %parallel_loop3A_461 : vector<16x1xi32> to vector<16xi32>
          %parallel_loop3A_463 = tpu.dynamic_gather %parallel_loop3A_355[%parallel_loop3A_462] in [0] : vector<16xf32>, vector<16xi32> -> vector<16xf32>
          %parallel_loop3A_464 = vector.broadcast %parallel_loop3A_459 : i32 to vector<16xi32>
          %parallel_loop3A_465 = vector.shape_cast %parallel_loop3A_464 : vector<16xi32> to vector<16x1xi32>
          %parallel_loop3A_466 = vector.shape_cast %parallel_loop3A_465 : vector<16x1xi32> to vector<16xi32>
          %parallel_loop3A_467 = tpu.dynamic_gather %parallel_loop3A_358[%parallel_loop3A_466] in [0] : vector<16xf32>, vector<16xi32> -> vector<16xf32>
          %parallel_loop3A_468 = vector.broadcast %parallel_loop3A_459 : i32 to vector<16xi32>
          %parallel_loop3A_469 = vector.shape_cast %parallel_loop3A_468 : vector<16xi32> to vector<16x1xi32>
          %parallel_loop3A_470 = vector.shape_cast %parallel_loop3A_469 : vector<16x1xi32> to vector<16xi32>
          %parallel_loop3A_471 = tpu.dynamic_gather %parallel_loop3A_361[%parallel_loop3A_470] in [0] : vector<16xf32>, vector<16xi32> -> vector<16xf32>
          %parallel_loop3A_472 = vector.broadcast %parallel_loop3A_459 : i32 to vector<16xi32>
          %parallel_loop3A_473 = vector.shape_cast %parallel_loop3A_472 : vector<16xi32> to vector<16x1xi32>
          %parallel_loop3A_474 = vector.shape_cast %parallel_loop3A_473 : vector<16x1xi32> to vector<16xi32>
          %parallel_loop3A_475 = tpu.dynamic_gather %parallel_loop3A_364[%parallel_loop3A_474] in [0] : vector<16xf32>, vector<16xi32> -> vector<16xf32>
          %parallel_loop3A_476 = arith.mulf %get3A_71, %parallel_loop3A_463 : vector<16xf32>
          %parallel_loop3A_477 = arith.mulf %get3A_74, %parallel_loop3A_467 : vector<16xf32>
          %parallel_loop3A_478 = arith.addf %parallel_loop3A_476, %parallel_loop3A_477 : vector<16xf32>
          %parallel_loop3A_479 = arith.mulf %get3A_77, %parallel_loop3A_471 : vector<16xf32>
          %parallel_loop3A_480 = arith.addf %parallel_loop3A_478, %parallel_loop3A_479 : vector<16xf32>
          %parallel_loop3A_481 = arith.subf %parallel_loop3A_480, %parallel_loop3A_475 : vector<16xf32>
          %parallel_loop3A_482 = arith.maximumf %parallel_loop3A_406, %parallel_loop3A_481 : vector<16xf32>
          %parallel_loop3A_483 = arith.mulf %get3A_85, %parallel_loop3A_463 : vector<16xf32>
          %parallel_loop3A_484 = arith.mulf %get3A_88, %parallel_loop3A_467 : vector<16xf32>
          %parallel_loop3A_485 = arith.addf %parallel_loop3A_483, %parallel_loop3A_484 : vector<16xf32>
          %parallel_loop3A_486 = arith.mulf %get3A_91, %parallel_loop3A_471 : vector<16xf32>
          %parallel_loop3A_487 = arith.addf %parallel_loop3A_485, %parallel_loop3A_486 : vector<16xf32>
          %parallel_loop3A_488 = arith.subf %parallel_loop3A_487, %parallel_loop3A_475 : vector<16xf32>
          %parallel_loop3A_489 = arith.maximumf %parallel_loop3A_413, %parallel_loop3A_488 : vector<16xf32>
          %parallel_loop3A_490 = arith.mulf %get3A_99, %parallel_loop3A_463 : vector<16xf32>
          %parallel_loop3A_491 = arith.mulf %get3A_102, %parallel_loop3A_467 : vector<16xf32>
          %parallel_loop3A_492 = arith.addf %parallel_loop3A_490, %parallel_loop3A_491 : vector<16xf32>
          %parallel_loop3A_493 = arith.mulf %get3A_105, %parallel_loop3A_471 : vector<16xf32>
          %parallel_loop3A_494 = arith.addf %parallel_loop3A_492, %parallel_loop3A_493 : vector<16xf32>
          %parallel_loop3A_495 = arith.subf %parallel_loop3A_494, %parallel_loop3A_475 : vector<16xf32>
          %parallel_loop3A_496 = arith.maximumf %parallel_loop3A_420, %parallel_loop3A_495 : vector<16xf32>
          %parallel_loop3A_497 = arith.mulf %get3A_113, %parallel_loop3A_463 : vector<16xf32>
          %parallel_loop3A_498 = arith.mulf %get3A_116, %parallel_loop3A_467 : vector<16xf32>
          %parallel_loop3A_499 = arith.addf %parallel_loop3A_497, %parallel_loop3A_498 : vector<16xf32>
          %parallel_loop3A_500 = arith.mulf %get3A_119, %parallel_loop3A_471 : vector<16xf32>
          %parallel_loop3A_501 = arith.addf %parallel_loop3A_499, %parallel_loop3A_500 : vector<16xf32>
          %parallel_loop3A_502 = arith.subf %parallel_loop3A_501, %parallel_loop3A_475 : vector<16xf32>
          %parallel_loop3A_503 = arith.maximumf %parallel_loop3A_427, %parallel_loop3A_502 : vector<16xf32>
          %parallel_loop3A_504 = arith.mulf %get3A_127, %parallel_loop3A_463 : vector<16xf32>
          %parallel_loop3A_505 = arith.mulf %get3A_130, %parallel_loop3A_467 : vector<16xf32>
          %parallel_loop3A_506 = arith.addf %parallel_loop3A_504, %parallel_loop3A_505 : vector<16xf32>
          %parallel_loop3A_507 = arith.mulf %get3A_133, %parallel_loop3A_471 : vector<16xf32>
          %parallel_loop3A_508 = arith.addf %parallel_loop3A_506, %parallel_loop3A_507 : vector<16xf32>
          %parallel_loop3A_509 = arith.subf %parallel_loop3A_508, %parallel_loop3A_475 : vector<16xf32>
          %parallel_loop3A_510 = arith.maximumf %parallel_loop3A_434, %parallel_loop3A_509 : vector<16xf32>
          %parallel_loop3A_511 = arith.mulf %get3A_141, %parallel_loop3A_463 : vector<16xf32>
          %parallel_loop3A_512 = arith.mulf %get3A_144, %parallel_loop3A_467 : vector<16xf32>
          %parallel_loop3A_513 = arith.addf %parallel_loop3A_511, %parallel_loop3A_512 : vector<16xf32>
          %parallel_loop3A_514 = arith.mulf %get3A_147, %parallel_loop3A_471 : vector<16xf32>
          %parallel_loop3A_515 = arith.addf %parallel_loop3A_513, %parallel_loop3A_514 : vector<16xf32>
          %parallel_loop3A_516 = arith.subf %parallel_loop3A_515, %parallel_loop3A_475 : vector<16xf32>
          %parallel_loop3A_517 = arith.maximumf %parallel_loop3A_441, %parallel_loop3A_516 : vector<16xf32>
          %parallel_loop3A_518 = arith.mulf %get3A_155, %parallel_loop3A_463 : vector<16xf32>
          %parallel_loop3A_519 = arith.mulf %get3A_158, %parallel_loop3A_467 : vector<16xf32>
          %parallel_loop3A_520 = arith.addf %parallel_loop3A_518, %parallel_loop3A_519 : vector<16xf32>
          %parallel_loop3A_521 = arith.mulf %get3A_161, %parallel_loop3A_471 : vector<16xf32>
          %parallel_loop3A_522 = arith.addf %parallel_loop3A_520, %parallel_loop3A_521 : vector<16xf32>
          %parallel_loop3A_523 = arith.subf %parallel_loop3A_522, %parallel_loop3A_475 : vector<16xf32>
          %parallel_loop3A_524 = arith.maximumf %parallel_loop3A_448, %parallel_loop3A_523 : vector<16xf32>
          %parallel_loop3A_525 = arith.mulf %get3A_169, %parallel_loop3A_463 : vector<16xf32>
          %parallel_loop3A_526 = arith.mulf %get3A_172, %parallel_loop3A_467 : vector<16xf32>
          %parallel_loop3A_527 = arith.addf %parallel_loop3A_525, %parallel_loop3A_526 : vector<16xf32>
          %parallel_loop3A_528 = arith.mulf %get3A_175, %parallel_loop3A_471 : vector<16xf32>
          %parallel_loop3A_529 = arith.addf %parallel_loop3A_527, %parallel_loop3A_528 : vector<16xf32>
          %parallel_loop3A_530 = arith.subf %parallel_loop3A_529, %parallel_loop3A_475 : vector<16xf32>
          %parallel_loop3A_531 = arith.maximumf %parallel_loop3A_455, %parallel_loop3A_530 : vector<16xf32>
          %parallel_loop3A_532 = arith.constant 4 : i32
          %parallel_loop3A_533 = arith.muli %scan3A_371, %parallel_loop3A_532 : i32
          %parallel_loop3A_534 = arith.constant 2 : i32
          %parallel_loop3A_535 = arith.addi %parallel_loop3A_533, %parallel_loop3A_534 : i32
          %parallel_loop3A_536 = vector.broadcast %parallel_loop3A_535 : i32 to vector<16xi32>
          %parallel_loop3A_537 = vector.shape_cast %parallel_loop3A_536 : vector<16xi32> to vector<16x1xi32>
          %parallel_loop3A_538 = vector.shape_cast %parallel_loop3A_537 : vector<16x1xi32> to vector<16xi32>
          %parallel_loop3A_539 = tpu.dynamic_gather %parallel_loop3A_355[%parallel_loop3A_538] in [0] : vector<16xf32>, vector<16xi32> -> vector<16xf32>
          %parallel_loop3A_540 = vector.broadcast %parallel_loop3A_535 : i32 to vector<16xi32>
          %parallel_loop3A_541 = vector.shape_cast %parallel_loop3A_540 : vector<16xi32> to vector<16x1xi32>
          %parallel_loop3A_542 = vector.shape_cast %parallel_loop3A_541 : vector<16x1xi32> to vector<16xi32>
          %parallel_loop3A_543 = tpu.dynamic_gather %parallel_loop3A_358[%parallel_loop3A_542] in [0] : vector<16xf32>, vector<16xi32> -> vector<16xf32>
          %parallel_loop3A_544 = vector.broadcast %parallel_loop3A_535 : i32 to vector<16xi32>
          %parallel_loop3A_545 = vector.shape_cast %parallel_loop3A_544 : vector<16xi32> to vector<16x1xi32>
          %parallel_loop3A_546 = vector.shape_cast %parallel_loop3A_545 : vector<16x1xi32> to vector<16xi32>
          %parallel_loop3A_547 = tpu.dynamic_gather %parallel_loop3A_361[%parallel_loop3A_546] in [0] : vector<16xf32>, vector<16xi32> -> vector<16xf32>
          %parallel_loop3A_548 = vector.broadcast %parallel_loop3A_535 : i32 to vector<16xi32>
          %parallel_loop3A_549 = vector.shape_cast %parallel_loop3A_548 : vector<16xi32> to vector<16x1xi32>
          %parallel_loop3A_550 = vector.shape_cast %parallel_loop3A_549 : vector<16x1xi32> to vector<16xi32>
          %parallel_loop3A_551 = tpu.dynamic_gather %parallel_loop3A_364[%parallel_loop3A_550] in [0] : vector<16xf32>, vector<16xi32> -> vector<16xf32>
          %parallel_loop3A_552 = arith.mulf %get3A_71, %parallel_loop3A_539 : vector<16xf32>
          %parallel_loop3A_553 = arith.mulf %get3A_74, %parallel_loop3A_543 : vector<16xf32>
          %parallel_loop3A_554 = arith.addf %parallel_loop3A_552, %parallel_loop3A_553 : vector<16xf32>
          %parallel_loop3A_555 = arith.mulf %get3A_77, %parallel_loop3A_547 : vector<16xf32>
          %parallel_loop3A_556 = arith.addf %parallel_loop3A_554, %parallel_loop3A_555 : vector<16xf32>
          %parallel_loop3A_557 = arith.subf %parallel_loop3A_556, %parallel_loop3A_551 : vector<16xf32>
          %parallel_loop3A_558 = arith.maximumf %parallel_loop3A_482, %parallel_loop3A_557 : vector<16xf32>
          %parallel_loop3A_559 = arith.mulf %get3A_85, %parallel_loop3A_539 : vector<16xf32>
          %parallel_loop3A_560 = arith.mulf %get3A_88, %parallel_loop3A_543 : vector<16xf32>
          %parallel_loop3A_561 = arith.addf %parallel_loop3A_559, %parallel_loop3A_560 : vector<16xf32>
          %parallel_loop3A_562 = arith.mulf %get3A_91, %parallel_loop3A_547 : vector<16xf32>
          %parallel_loop3A_563 = arith.addf %parallel_loop3A_561, %parallel_loop3A_562 : vector<16xf32>
          %parallel_loop3A_564 = arith.subf %parallel_loop3A_563, %parallel_loop3A_551 : vector<16xf32>
          %parallel_loop3A_565 = arith.maximumf %parallel_loop3A_489, %parallel_loop3A_564 : vector<16xf32>
          %parallel_loop3A_566 = arith.mulf %get3A_99, %parallel_loop3A_539 : vector<16xf32>
          %parallel_loop3A_567 = arith.mulf %get3A_102, %parallel_loop3A_543 : vector<16xf32>
          %parallel_loop3A_568 = arith.addf %parallel_loop3A_566, %parallel_loop3A_567 : vector<16xf32>
          %parallel_loop3A_569 = arith.mulf %get3A_105, %parallel_loop3A_547 : vector<16xf32>
          %parallel_loop3A_570 = arith.addf %parallel_loop3A_568, %parallel_loop3A_569 : vector<16xf32>
          %parallel_loop3A_571 = arith.subf %parallel_loop3A_570, %parallel_loop3A_551 : vector<16xf32>
          %parallel_loop3A_572 = arith.maximumf %parallel_loop3A_496, %parallel_loop3A_571 : vector<16xf32>
          %parallel_loop3A_573 = arith.mulf %get3A_113, %parallel_loop3A_539 : vector<16xf32>
          %parallel_loop3A_574 = arith.mulf %get3A_116, %parallel_loop3A_543 : vector<16xf32>
          %parallel_loop3A_575 = arith.addf %parallel_loop3A_573, %parallel_loop3A_574 : vector<16xf32>
          %parallel_loop3A_576 = arith.mulf %get3A_119, %parallel_loop3A_547 : vector<16xf32>
          %parallel_loop3A_577 = arith.addf %parallel_loop3A_575, %parallel_loop3A_576 : vector<16xf32>
          %parallel_loop3A_578 = arith.subf %parallel_loop3A_577, %parallel_loop3A_551 : vector<16xf32>
          %parallel_loop3A_579 = arith.maximumf %parallel_loop3A_503, %parallel_loop3A_578 : vector<16xf32>
          %parallel_loop3A_580 = arith.mulf %get3A_127, %parallel_loop3A_539 : vector<16xf32>
          %parallel_loop3A_581 = arith.mulf %get3A_130, %parallel_loop3A_543 : vector<16xf32>
          %parallel_loop3A_582 = arith.addf %parallel_loop3A_580, %parallel_loop3A_581 : vector<16xf32>
          %parallel_loop3A_583 = arith.mulf %get3A_133, %parallel_loop3A_547 : vector<16xf32>
          %parallel_loop3A_584 = arith.addf %parallel_loop3A_582, %parallel_loop3A_583 : vector<16xf32>
          %parallel_loop3A_585 = arith.subf %parallel_loop3A_584, %parallel_loop3A_551 : vector<16xf32>
          %parallel_loop3A_586 = arith.maximumf %parallel_loop3A_510, %parallel_loop3A_585 : vector<16xf32>
          %parallel_loop3A_587 = arith.mulf %get3A_141, %parallel_loop3A_539 : vector<16xf32>
          %parallel_loop3A_588 = arith.mulf %get3A_144, %parallel_loop3A_543 : vector<16xf32>
          %parallel_loop3A_589 = arith.addf %parallel_loop3A_587, %parallel_loop3A_588 : vector<16xf32>
          %parallel_loop3A_590 = arith.mulf %get3A_147, %parallel_loop3A_547 : vector<16xf32>
          %parallel_loop3A_591 = arith.addf %parallel_loop3A_589, %parallel_loop3A_590 : vector<16xf32>
          %parallel_loop3A_592 = arith.subf %parallel_loop3A_591, %parallel_loop3A_551 : vector<16xf32>
          %parallel_loop3A_593 = arith.maximumf %parallel_loop3A_517, %parallel_loop3A_592 : vector<16xf32>
          %parallel_loop3A_594 = arith.mulf %get3A_155, %parallel_loop3A_539 : vector<16xf32>
          %parallel_loop3A_595 = arith.mulf %get3A_158, %parallel_loop3A_543 : vector<16xf32>
          %parallel_loop3A_596 = arith.addf %parallel_loop3A_594, %parallel_loop3A_595 : vector<16xf32>
          %parallel_loop3A_597 = arith.mulf %get3A_161, %parallel_loop3A_547 : vector<16xf32>
          %parallel_loop3A_598 = arith.addf %parallel_loop3A_596, %parallel_loop3A_597 : vector<16xf32>
          %parallel_loop3A_599 = arith.subf %parallel_loop3A_598, %parallel_loop3A_551 : vector<16xf32>
          %parallel_loop3A_600 = arith.maximumf %parallel_loop3A_524, %parallel_loop3A_599 : vector<16xf32>
          %parallel_loop3A_601 = arith.mulf %get3A_169, %parallel_loop3A_539 : vector<16xf32>
          %parallel_loop3A_602 = arith.mulf %get3A_172, %parallel_loop3A_543 : vector<16xf32>
          %parallel_loop3A_603 = arith.addf %parallel_loop3A_601, %parallel_loop3A_602 : vector<16xf32>
          %parallel_loop3A_604 = arith.mulf %get3A_175, %parallel_loop3A_547 : vector<16xf32>
          %parallel_loop3A_605 = arith.addf %parallel_loop3A_603, %parallel_loop3A_604 : vector<16xf32>
          %parallel_loop3A_606 = arith.subf %parallel_loop3A_605, %parallel_loop3A_551 : vector<16xf32>
          %parallel_loop3A_607 = arith.maximumf %parallel_loop3A_531, %parallel_loop3A_606 : vector<16xf32>
          %parallel_loop3A_608 = arith.constant 4 : i32
          %parallel_loop3A_609 = arith.muli %scan3A_371, %parallel_loop3A_608 : i32
          %parallel_loop3A_610 = arith.constant 3 : i32
          %parallel_loop3A_611 = arith.addi %parallel_loop3A_609, %parallel_loop3A_610 : i32
          %parallel_loop3A_612 = vector.broadcast %parallel_loop3A_611 : i32 to vector<16xi32>
          %parallel_loop3A_613 = vector.shape_cast %parallel_loop3A_612 : vector<16xi32> to vector<16x1xi32>
          %parallel_loop3A_614 = vector.shape_cast %parallel_loop3A_613 : vector<16x1xi32> to vector<16xi32>
          %parallel_loop3A_615 = tpu.dynamic_gather %parallel_loop3A_355[%parallel_loop3A_614] in [0] : vector<16xf32>, vector<16xi32> -> vector<16xf32>
          %parallel_loop3A_616 = vector.broadcast %parallel_loop3A_611 : i32 to vector<16xi32>
          %parallel_loop3A_617 = vector.shape_cast %parallel_loop3A_616 : vector<16xi32> to vector<16x1xi32>
          %parallel_loop3A_618 = vector.shape_cast %parallel_loop3A_617 : vector<16x1xi32> to vector<16xi32>
          %parallel_loop3A_619 = tpu.dynamic_gather %parallel_loop3A_358[%parallel_loop3A_618] in [0] : vector<16xf32>, vector<16xi32> -> vector<16xf32>
          %parallel_loop3A_620 = vector.broadcast %parallel_loop3A_611 : i32 to vector<16xi32>
          %parallel_loop3A_621 = vector.shape_cast %parallel_loop3A_620 : vector<16xi32> to vector<16x1xi32>
          %parallel_loop3A_622 = vector.shape_cast %parallel_loop3A_621 : vector<16x1xi32> to vector<16xi32>
          %parallel_loop3A_623 = tpu.dynamic_gather %parallel_loop3A_361[%parallel_loop3A_622] in [0] : vector<16xf32>, vector<16xi32> -> vector<16xf32>
          %parallel_loop3A_624 = vector.broadcast %parallel_loop3A_611 : i32 to vector<16xi32>
          %parallel_loop3A_625 = vector.shape_cast %parallel_loop3A_624 : vector<16xi32> to vector<16x1xi32>
          %parallel_loop3A_626 = vector.shape_cast %parallel_loop3A_625 : vector<16x1xi32> to vector<16xi32>
          %parallel_loop3A_627 = tpu.dynamic_gather %parallel_loop3A_364[%parallel_loop3A_626] in [0] : vector<16xf32>, vector<16xi32> -> vector<16xf32>
          %parallel_loop3A_628 = arith.mulf %get3A_71, %parallel_loop3A_615 : vector<16xf32>
          %parallel_loop3A_629 = arith.mulf %get3A_74, %parallel_loop3A_619 : vector<16xf32>
          %parallel_loop3A_630 = arith.addf %parallel_loop3A_628, %parallel_loop3A_629 : vector<16xf32>
          %parallel_loop3A_631 = arith.mulf %get3A_77, %parallel_loop3A_623 : vector<16xf32>
          %parallel_loop3A_632 = arith.addf %parallel_loop3A_630, %parallel_loop3A_631 : vector<16xf32>
          %parallel_loop3A_633 = arith.subf %parallel_loop3A_632, %parallel_loop3A_627 : vector<16xf32>
          %parallel_loop3A_634 = arith.maximumf %parallel_loop3A_558, %parallel_loop3A_633 : vector<16xf32>
          %parallel_loop3A_635 = arith.mulf %get3A_85, %parallel_loop3A_615 : vector<16xf32>
          %parallel_loop3A_636 = arith.mulf %get3A_88, %parallel_loop3A_619 : vector<16xf32>
          %parallel_loop3A_637 = arith.addf %parallel_loop3A_635, %parallel_loop3A_636 : vector<16xf32>
          %parallel_loop3A_638 = arith.mulf %get3A_91, %parallel_loop3A_623 : vector<16xf32>
          %parallel_loop3A_639 = arith.addf %parallel_loop3A_637, %parallel_loop3A_638 : vector<16xf32>
          %parallel_loop3A_640 = arith.subf %parallel_loop3A_639, %parallel_loop3A_627 : vector<16xf32>
          %parallel_loop3A_641 = arith.maximumf %parallel_loop3A_565, %parallel_loop3A_640 : vector<16xf32>
          %parallel_loop3A_642 = arith.mulf %get3A_99, %parallel_loop3A_615 : vector<16xf32>
          %parallel_loop3A_643 = arith.mulf %get3A_102, %parallel_loop3A_619 : vector<16xf32>
          %parallel_loop3A_644 = arith.addf %parallel_loop3A_642, %parallel_loop3A_643 : vector<16xf32>
          %parallel_loop3A_645 = arith.mulf %get3A_105, %parallel_loop3A_623 : vector<16xf32>
          %parallel_loop3A_646 = arith.addf %parallel_loop3A_644, %parallel_loop3A_645 : vector<16xf32>
          %parallel_loop3A_647 = arith.subf %parallel_loop3A_646, %parallel_loop3A_627 : vector<16xf32>
          %parallel_loop3A_648 = arith.maximumf %parallel_loop3A_572, %parallel_loop3A_647 : vector<16xf32>
          %parallel_loop3A_649 = arith.mulf %get3A_113, %parallel_loop3A_615 : vector<16xf32>
          %parallel_loop3A_650 = arith.mulf %get3A_116, %parallel_loop3A_619 : vector<16xf32>
          %parallel_loop3A_651 = arith.addf %parallel_loop3A_649, %parallel_loop3A_650 : vector<16xf32>
          %parallel_loop3A_652 = arith.mulf %get3A_119, %parallel_loop3A_623 : vector<16xf32>
          %parallel_loop3A_653 = arith.addf %parallel_loop3A_651, %parallel_loop3A_652 : vector<16xf32>
          %parallel_loop3A_654 = arith.subf %parallel_loop3A_653, %parallel_loop3A_627 : vector<16xf32>
          %parallel_loop3A_655 = arith.maximumf %parallel_loop3A_579, %parallel_loop3A_654 : vector<16xf32>
          %parallel_loop3A_656 = arith.mulf %get3A_127, %parallel_loop3A_615 : vector<16xf32>
          %parallel_loop3A_657 = arith.mulf %get3A_130, %parallel_loop3A_619 : vector<16xf32>
          %parallel_loop3A_658 = arith.addf %parallel_loop3A_656, %parallel_loop3A_657 : vector<16xf32>
          %parallel_loop3A_659 = arith.mulf %get3A_133, %parallel_loop3A_623 : vector<16xf32>
          %parallel_loop3A_660 = arith.addf %parallel_loop3A_658, %parallel_loop3A_659 : vector<16xf32>
          %parallel_loop3A_661 = arith.subf %parallel_loop3A_660, %parallel_loop3A_627 : vector<16xf32>
          %parallel_loop3A_662 = arith.maximumf %parallel_loop3A_586, %parallel_loop3A_661 : vector<16xf32>
          %parallel_loop3A_663 = arith.mulf %get3A_141, %parallel_loop3A_615 : vector<16xf32>
          %parallel_loop3A_664 = arith.mulf %get3A_144, %parallel_loop3A_619 : vector<16xf32>
          %parallel_loop3A_665 = arith.addf %parallel_loop3A_663, %parallel_loop3A_664 : vector<16xf32>
          %parallel_loop3A_666 = arith.mulf %get3A_147, %parallel_loop3A_623 : vector<16xf32>
          %parallel_loop3A_667 = arith.addf %parallel_loop3A_665, %parallel_loop3A_666 : vector<16xf32>
          %parallel_loop3A_668 = arith.subf %parallel_loop3A_667, %parallel_loop3A_627 : vector<16xf32>
          %parallel_loop3A_669 = arith.maximumf %parallel_loop3A_593, %parallel_loop3A_668 : vector<16xf32>
          %parallel_loop3A_670 = arith.mulf %get3A_155, %parallel_loop3A_615 : vector<16xf32>
          %parallel_loop3A_671 = arith.mulf %get3A_158, %parallel_loop3A_619 : vector<16xf32>
          %parallel_loop3A_672 = arith.addf %parallel_loop3A_670, %parallel_loop3A_671 : vector<16xf32>
          %parallel_loop3A_673 = arith.mulf %get3A_161, %parallel_loop3A_623 : vector<16xf32>
          %parallel_loop3A_674 = arith.addf %parallel_loop3A_672, %parallel_loop3A_673 : vector<16xf32>
          %parallel_loop3A_675 = arith.subf %parallel_loop3A_674, %parallel_loop3A_627 : vector<16xf32>
          %parallel_loop3A_676 = arith.maximumf %parallel_loop3A_600, %parallel_loop3A_675 : vector<16xf32>
          %parallel_loop3A_677 = arith.mulf %get3A_169, %parallel_loop3A_615 : vector<16xf32>
          %parallel_loop3A_678 = arith.mulf %get3A_172, %parallel_loop3A_619 : vector<16xf32>
          %parallel_loop3A_679 = arith.addf %parallel_loop3A_677, %parallel_loop3A_678 : vector<16xf32>
          %parallel_loop3A_680 = arith.mulf %get3A_175, %parallel_loop3A_623 : vector<16xf32>
          %parallel_loop3A_681 = arith.addf %parallel_loop3A_679, %parallel_loop3A_680 : vector<16xf32>
          %parallel_loop3A_682 = arith.subf %parallel_loop3A_681, %parallel_loop3A_627 : vector<16xf32>
          %parallel_loop3A_683 = arith.maximumf %parallel_loop3A_607, %parallel_loop3A_682 : vector<16xf32>
          scf.yield %parallel_loop3A_634, %parallel_loop3A_641, %parallel_loop3A_648, %parallel_loop3A_655, %parallel_loop3A_662, %parallel_loop3A_669, %parallel_loop3A_676, %parallel_loop3A_683 : vector<16xf32>, vector<16xf32>, vector<16xf32>, vector<16xf32>, vector<16xf32>, vector<16xf32>, vector<16xf32>, vector<16xf32>
        }
        %parallel_loop3A_370 = arith.constant 4 : i32
        scf.yield %parallel_loop3A_369#0, %parallel_loop3A_369#1, %parallel_loop3A_369#2, %parallel_loop3A_369#3, %parallel_loop3A_369#4, %parallel_loop3A_369#5, %parallel_loop3A_369#6, %parallel_loop3A_369#7 : vector<16xf32>, vector<16xf32>, vector<16xf32>, vector<16xf32>, vector<16xf32>, vector<16xf32>, vector<16xf32>, vector<16xf32>
      } {sc.loop_unroll_factor = 1 : i64, sc.parallel_access}
      %mul3A_182 = arith.mulf %get3A_71, %get3A_71 : vector<16xf32>
      %mul3A_183 = arith.mulf %get3A_74, %get3A_74 : vector<16xf32>
      %add3A_184 = arith.addf %mul3A_182, %mul3A_183 : vector<16xf32>
      %mul3A_185 = arith.mulf %get3A_77, %get3A_77 : vector<16xf32>
      %add3A_186 = arith.addf %add3A_184, %mul3A_185 : vector<16xf32>
      %add3A_187 = arith.addf %parallel_loop3A_181#0, %parallel_loop3A_181#0 : vector<16xf32>
      %sub3A_188 = arith.subf %add3A_186, %add3A_187 : vector<16xf32>
      %max3A_189 = arith.constant 0.000000e+00 : f32
      %max3A_190 = vector.broadcast %max3A_189 : f32 to vector<16xf32>
      %max3A_191 = arith.maximumf %sub3A_188, %max3A_190 : vector<16xf32>
      %mul3A_192 = arith.constant 128 : i32
      %mul3A_193 = arith.muli %scan3A_63, %mul3A_192 : i32
      %add3A_194 = arith.constant 0 : i32
      %add3A_195 = arith.addi %add3A_194, %mul3A_193 : i32
      %add3A_196 = arith.constant 0 : i32
      %add3A_197 = arith.addi %add3A_195, %add3A_196 : i32
      %swap3A_198 = arith.index_cast %add3A_197 : i32 to index
      %swap3A_199 = tpu.vector_load %arg18[%swap3A_198] {strides = array<i32>} : memref<256xf32, #tpu.memory_space<vmem>>, vector<16xf32>,
      %swap3A_200 = vector.shape_cast %swap3A_199 : vector<16xf32> to vector<16xf32>
      %swap3A_201 = vector.shape_cast %max3A_191 : vector<16xf32> to vector<16xf32>
      tpu.vector_store %arg18[%swap3A_198], %swap3A_201 {strides = array<i32>} : memref<256xf32, #tpu.memory_space<vmem>>, vector<16xf32>,
      %mul3A_202 = arith.mulf %get3A_85, %get3A_85 : vector<16xf32>
      %mul3A_203 = arith.mulf %get3A_88, %get3A_88 : vector<16xf32>
      %add3A_204 = arith.addf %mul3A_202, %mul3A_203 : vector<16xf32>
      %mul3A_205 = arith.mulf %get3A_91, %get3A_91 : vector<16xf32>
      %add3A_206 = arith.addf %add3A_204, %mul3A_205 : vector<16xf32>
      %add3A_207 = arith.addf %parallel_loop3A_181#1, %parallel_loop3A_181#1 : vector<16xf32>
      %sub3A_208 = arith.subf %add3A_206, %add3A_207 : vector<16xf32>
      %max3A_209 = arith.constant 0.000000e+00 : f32
      %max3A_210 = vector.broadcast %max3A_209 : f32 to vector<16xf32>
      %max3A_211 = arith.maximumf %sub3A_208, %max3A_210 : vector<16xf32>
      %mul3A_212 = arith.constant 128 : i32
      %mul3A_213 = arith.muli %scan3A_63, %mul3A_212 : i32
      %add3A_214 = arith.constant 0 : i32
      %add3A_215 = arith.addi %add3A_214, %mul3A_213 : i32
      %add3A_216 = arith.constant 16 : i32
      %add3A_217 = arith.addi %add3A_215, %add3A_216 : i32
      %swap3A_218 = arith.index_cast %add3A_217 : i32 to index
      %swap3A_219 = tpu.vector_load %arg18[%swap3A_218] {strides = array<i32>} : memref<256xf32, #tpu.memory_space<vmem>>, vector<16xf32>,
      %swap3A_220 = vector.shape_cast %swap3A_219 : vector<16xf32> to vector<16xf32>
      %swap3A_221 = vector.shape_cast %max3A_211 : vector<16xf32> to vector<16xf32>
      tpu.vector_store %arg18[%swap3A_218], %swap3A_221 {strides = array<i32>} : memref<256xf32, #tpu.memory_space<vmem>>, vector<16xf32>,
      %mul3A_222 = arith.mulf %get3A_99, %get3A_99 : vector<16xf32>
      %mul3A_223 = arith.mulf %get3A_102, %get3A_102 : vector<16xf32>
      %add3A_224 = arith.addf %mul3A_222, %mul3A_223 : vector<16xf32>
      %mul3A_225 = arith.mulf %get3A_105, %get3A_105 : vector<16xf32>
      %add3A_226 = arith.addf %add3A_224, %mul3A_225 : vector<16xf32>
      %add3A_227 = arith.addf %parallel_loop3A_181#2, %parallel_loop3A_181#2 : vector<16xf32>
      %sub3A_228 = arith.subf %add3A_226, %add3A_227 : vector<16xf32>
      %max3A_229 = arith.constant 0.000000e+00 : f32
      %max3A_230 = vector.broadcast %max3A_229 : f32 to vector<16xf32>
      %max3A_231 = arith.maximumf %sub3A_228, %max3A_230 : vector<16xf32>
      %mul3A_232 = arith.constant 128 : i32
      %mul3A_233 = arith.muli %scan3A_63, %mul3A_232 : i32
      %add3A_234 = arith.constant 0 : i32
      %add3A_235 = arith.addi %add3A_234, %mul3A_233 : i32
      %add3A_236 = arith.constant 32 : i32
      %add3A_237 = arith.addi %add3A_235, %add3A_236 : i32
      %swap3A_238 = arith.index_cast %add3A_237 : i32 to index
      %swap3A_239 = tpu.vector_load %arg18[%swap3A_238] {strides = array<i32>} : memref<256xf32, #tpu.memory_space<vmem>>, vector<16xf32>,
      %swap3A_240 = vector.shape_cast %swap3A_239 : vector<16xf32> to vector<16xf32>
      %swap3A_241 = vector.shape_cast %max3A_231 : vector<16xf32> to vector<16xf32>
      tpu.vector_store %arg18[%swap3A_238], %swap3A_241 {strides = array<i32>} : memref<256xf32, #tpu.memory_space<vmem>>, vector<16xf32>,
      %mul3A_242 = arith.mulf %get3A_113, %get3A_113 : vector<16xf32>
      %mul3A_243 = arith.mulf %get3A_116, %get3A_116 : vector<16xf32>
      %add3A_244 = arith.addf %mul3A_242, %mul3A_243 : vector<16xf32>
      %mul3A_245 = arith.mulf %get3A_119, %get3A_119 : vector<16xf32>
      %add3A_246 = arith.addf %add3A_244, %mul3A_245 : vector<16xf32>
      %add3A_247 = arith.addf %parallel_loop3A_181#3, %parallel_loop3A_181#3 : vector<16xf32>
      %sub3A_248 = arith.subf %add3A_246, %add3A_247 : vector<16xf32>
      %max3A_249 = arith.constant 0.000000e+00 : f32
      %max3A_250 = vector.broadcast %max3A_249 : f32 to vector<16xf32>
      %max3A_251 = arith.maximumf %sub3A_248, %max3A_250 : vector<16xf32>
      %mul3A_252 = arith.constant 128 : i32
      %mul3A_253 = arith.muli %scan3A_63, %mul3A_252 : i32
      %add3A_254 = arith.constant 0 : i32
      %add3A_255 = arith.addi %add3A_254, %mul3A_253 : i32
      %add3A_256 = arith.constant 48 : i32
      %add3A_257 = arith.addi %add3A_255, %add3A_256 : i32
      %swap3A_258 = arith.index_cast %add3A_257 : i32 to index
      %swap3A_259 = tpu.vector_load %arg18[%swap3A_258] {strides = array<i32>} : memref<256xf32, #tpu.memory_space<vmem>>, vector<16xf32>,
      %swap3A_260 = vector.shape_cast %swap3A_259 : vector<16xf32> to vector<16xf32>
      %swap3A_261 = vector.shape_cast %max3A_251 : vector<16xf32> to vector<16xf32>
      tpu.vector_store %arg18[%swap3A_258], %swap3A_261 {strides = array<i32>} : memref<256xf32, #tpu.memory_space<vmem>>, vector<16xf32>,
      %mul3A_262 = arith.mulf %get3A_127, %get3A_127 : vector<16xf32>
      %mul3A_263 = arith.mulf %get3A_130, %get3A_130 : vector<16xf32>
      %add3A_264 = arith.addf %mul3A_262, %mul3A_263 : vector<16xf32>
      %mul3A_265 = arith.mulf %get3A_133, %get3A_133 : vector<16xf32>
      %add3A_266 = arith.addf %add3A_264, %mul3A_265 : vector<16xf32>
      %add3A_267 = arith.addf %parallel_loop3A_181#4, %parallel_loop3A_181#4 : vector<16xf32>
      %sub3A_268 = arith.subf %add3A_266, %add3A_267 : vector<16xf32>
      %max3A_269 = arith.constant 0.000000e+00 : f32
      %max3A_270 = vector.broadcast %max3A_269 : f32 to vector<16xf32>
      %max3A_271 = arith.maximumf %sub3A_268, %max3A_270 : vector<16xf32>
      %mul3A_272 = arith.constant 128 : i32
      %mul3A_273 = arith.muli %scan3A_63, %mul3A_272 : i32
      %add3A_274 = arith.constant 0 : i32
      %add3A_275 = arith.addi %add3A_274, %mul3A_273 : i32
      %add3A_276 = arith.constant 64 : i32
      %add3A_277 = arith.addi %add3A_275, %add3A_276 : i32
      %swap3A_278 = arith.index_cast %add3A_277 : i32 to index
      %swap3A_279 = tpu.vector_load %arg18[%swap3A_278] {strides = array<i32>} : memref<256xf32, #tpu.memory_space<vmem>>, vector<16xf32>,
      %swap3A_280 = vector.shape_cast %swap3A_279 : vector<16xf32> to vector<16xf32>
      %swap3A_281 = vector.shape_cast %max3A_271 : vector<16xf32> to vector<16xf32>
      tpu.vector_store %arg18[%swap3A_278], %swap3A_281 {strides = array<i32>} : memref<256xf32, #tpu.memory_space<vmem>>, vector<16xf32>,
      %mul3A_282 = arith.mulf %get3A_141, %get3A_141 : vector<16xf32>
      %mul3A_283 = arith.mulf %get3A_144, %get3A_144 : vector<16xf32>
      %add3A_284 = arith.addf %mul3A_282, %mul3A_283 : vector<16xf32>
      %mul3A_285 = arith.mulf %get3A_147, %get3A_147 : vector<16xf32>
      %add3A_286 = arith.addf %add3A_284, %mul3A_285 : vector<16xf32>
      %add3A_287 = arith.addf %parallel_loop3A_181#5, %parallel_loop3A_181#5 : vector<16xf32>
      %sub3A_288 = arith.subf %add3A_286, %add3A_287 : vector<16xf32>
      %max3A_289 = arith.constant 0.000000e+00 : f32
      %max3A_290 = vector.broadcast %max3A_289 : f32 to vector<16xf32>
      %max3A_291 = arith.maximumf %sub3A_288, %max3A_290 : vector<16xf32>
      %mul3A_292 = arith.constant 128 : i32
      %mul3A_293 = arith.muli %scan3A_63, %mul3A_292 : i32
      %add3A_294 = arith.constant 0 : i32
      %add3A_295 = arith.addi %add3A_294, %mul3A_293 : i32
      %add3A_296 = arith.constant 80 : i32
      %add3A_297 = arith.addi %add3A_295, %add3A_296 : i32
      %swap3A_298 = arith.index_cast %add3A_297 : i32 to index
      %swap3A_299 = tpu.vector_load %arg18[%swap3A_298] {strides = array<i32>} : memref<256xf32, #tpu.memory_space<vmem>>, vector<16xf32>,
      %swap3A_300 = vector.shape_cast %swap3A_299 : vector<16xf32> to vector<16xf32>
      %swap3A_301 = vector.shape_cast %max3A_291 : vector<16xf32> to vector<16xf32>
      tpu.vector_store %arg18[%swap3A_298], %swap3A_301 {strides = array<i32>} : memref<256xf32, #tpu.memory_space<vmem>>, vector<16xf32>,
      %mul3A_302 = arith.mulf %get3A_155, %get3A_155 : vector<16xf32>
      %mul3A_303 = arith.mulf %get3A_158, %get3A_158 : vector<16xf32>
      %add3A_304 = arith.addf %mul3A_302, %mul3A_303 : vector<16xf32>
      %mul3A_305 = arith.mulf %get3A_161, %get3A_161 : vector<16xf32>
      %add3A_306 = arith.addf %add3A_304, %mul3A_305 : vector<16xf32>
      %add3A_307 = arith.addf %parallel_loop3A_181#6, %parallel_loop3A_181#6 : vector<16xf32>
      %sub3A_308 = arith.subf %add3A_306, %add3A_307 : vector<16xf32>
      %max3A_309 = arith.constant 0.000000e+00 : f32
      %max3A_310 = vector.broadcast %max3A_309 : f32 to vector<16xf32>
      %max3A_311 = arith.maximumf %sub3A_308, %max3A_310 : vector<16xf32>
      %mul3A_312 = arith.constant 128 : i32
      %mul3A_313 = arith.muli %scan3A_63, %mul3A_312 : i32
      %add3A_314 = arith.constant 0 : i32
      %add3A_315 = arith.addi %add3A_314, %mul3A_313 : i32
      %add3A_316 = arith.constant 96 : i32
      %add3A_317 = arith.addi %add3A_315, %add3A_316 : i32
      %swap3A_318 = arith.index_cast %add3A_317 : i32 to index
      %swap3A_319 = tpu.vector_load %arg18[%swap3A_318] {strides = array<i32>} : memref<256xf32, #tpu.memory_space<vmem>>, vector<16xf32>,
      %swap3A_320 = vector.shape_cast %swap3A_319 : vector<16xf32> to vector<16xf32>
      %swap3A_321 = vector.shape_cast %max3A_311 : vector<16xf32> to vector<16xf32>
      tpu.vector_store %arg18[%swap3A_318], %swap3A_321 {strides = array<i32>} : memref<256xf32, #tpu.memory_space<vmem>>, vector<16xf32>,
      %mul3A_322 = arith.mulf %get3A_169, %get3A_169 : vector<16xf32>
      %mul3A_323 = arith.mulf %get3A_172, %get3A_172 : vector<16xf32>
      %add3A_324 = arith.addf %mul3A_322, %mul3A_323 : vector<16xf32>
      %mul3A_325 = arith.mulf %get3A_175, %get3A_175 : vector<16xf32>
      %add3A_326 = arith.addf %add3A_324, %mul3A_325 : vector<16xf32>
      %add3A_327 = arith.addf %parallel_loop3A_181#7, %parallel_loop3A_181#7 : vector<16xf32>
      %sub3A_328 = arith.subf %add3A_326, %add3A_327 : vector<16xf32>
      %max3A_329 = arith.constant 0.000000e+00 : f32
      %max3A_330 = vector.broadcast %max3A_329 : f32 to vector<16xf32>
      %max3A_331 = arith.maximumf %sub3A_328, %max3A_330 : vector<16xf32>
      %mul3A_332 = arith.constant 128 : i32
      %mul3A_333 = arith.muli %scan3A_63, %mul3A_332 : i32
      %add3A_334 = arith.constant 0 : i32
      %add3A_335 = arith.addi %add3A_334, %mul3A_333 : i32
      %add3A_336 = arith.constant 112 : i32
      %add3A_337 = arith.addi %add3A_335, %add3A_336 : i32
      %swap3A_338 = arith.index_cast %add3A_337 : i32 to index
      %swap3A_339 = tpu.vector_load %arg18[%swap3A_338] {strides = array<i32>} : memref<256xf32, #tpu.memory_space<vmem>>, vector<16xf32>,
      %swap3A_340 = vector.shape_cast %swap3A_339 : vector<16xf32> to vector<16xf32>
      %swap3A_341 = vector.shape_cast %max3A_331 : vector<16xf32> to vector<16xf32>
      tpu.vector_store %arg18[%swap3A_338], %swap3A_341 {strides = array<i32>} : memref<256xf32, #tpu.memory_space<vmem>>, vector<16xf32>,
    }
    %scan3A_19 = arith.constant 2 : i32
    %mul3A_20 = arith.constant 16 : i32
    %mul3A_21 = arith.muli %add3A, %mul3A_20 : i32
    %scan3A_22 = arith.constant 0 : i32
    %scan3A_23 = arith.constant 0 : i32
    %mul3A_24 = arith.constant 16 : i32
    %mul3A_25 = arith.muli %scan3A_23, %mul3A_24 : i32
    %add3A_26 = arith.addi %mul3A_21, %mul3A_25 : i32
    %add3A_27 = arith.constant 0 : i32
    %add3A_28 = arith.addi %add3A_26, %add3A_27 : i32
    %get3A = arith.index_cast %add3A_28 : i32 to index
    %get3A_29 = tpu.vector_load %arg13[%get3A] {strides = array<i32>} : memref<512xf32, #tpu.memory_space<vmem>>, vector<16xf32>,
    %get3A_30 = vector.shape_cast %get3A_29 : vector<16xf32> to vector<16xf32>
    %get3A_31 = arith.index_cast %add3A_28 : i32 to index
    %get3A_32 = tpu.vector_load %arg14[%get3A_31] {strides = array<i32>} : memref<512xf32, #tpu.memory_space<vmem>>, vector<16xf32>,
    %get3A_33 = vector.shape_cast %get3A_32 : vector<16xf32> to vector<16xf32>
    %get3A_34 = arith.index_cast %add3A_28 : i32 to index
    %get3A_35 = tpu.vector_load %arg15[%get3A_34] {strides = array<i32>} : memref<512xf32, #tpu.memory_space<vmem>>, vector<16xf32>,
    %get3A_36 = vector.shape_cast %get3A_35 : vector<16xf32> to vector<16xf32>
    %broadcast_in_dim3A = arith.constant 0xFF800000 : f32
    %broadcast_in_dim3A_37 = vector.broadcast %broadcast_in_dim3A : f32 to vector<16xf32>
    %parallel_loop3A = arith.constant 0 : i32
    %parallel_loop3A_38 = arith.constant 512 : i32
    %parallel_loop3A_39 = arith.constant 1 : i32
    %parallel_loop3A_40 = scf.for %parallel_loop3A_63 = %parallel_loop3A to %parallel_loop3A_38 step %parallel_loop3A_39 iter_args(%parallel_loop3A_64 = %broadcast_in_dim3A_37) -> (vector<16xf32>)  : i32 {
      %parallel_loop3A_65 = arith.constant 16 : i32
      %parallel_loop3A_66 = arith.muli %parallel_loop3A_63, %parallel_loop3A_65 : i32
      %parallel_loop3A_67 = arith.index_cast %parallel_loop3A_66 : i32 to index
      %parallel_loop3A_68 = tpu.vector_load %arg10[%parallel_loop3A_67] {strides = array<i32>} : memref<8192xf32, #tpu.memory_space<vmem>>, vector<16xf32>,
      %parallel_loop3A_69 = vector.shape_cast %parallel_loop3A_68 : vector<16xf32> to vector<16xf32>
      %parallel_loop3A_70 = arith.index_cast %parallel_loop3A_66 : i32 to index
      %parallel_loop3A_71 = tpu.vector_load %arg11[%parallel_loop3A_70] {strides = array<i32>} : memref<8192xf32, #tpu.memory_space<vmem>>, vector<16xf32>,
      %parallel_loop3A_72 = vector.shape_cast %parallel_loop3A_71 : vector<16xf32> to vector<16xf32>
      %parallel_loop3A_73 = arith.index_cast %parallel_loop3A_66 : i32 to index
      %parallel_loop3A_74 = tpu.vector_load %arg12[%parallel_loop3A_73] {strides = array<i32>} : memref<8192xf32, #tpu.memory_space<vmem>>, vector<16xf32>,
      %parallel_loop3A_75 = vector.shape_cast %parallel_loop3A_74 : vector<16xf32> to vector<16xf32>
      %parallel_loop3A_76 = arith.index_cast %parallel_loop3A_66 : i32 to index
      %parallel_loop3A_77 = tpu.vector_load %arg16[%parallel_loop3A_76] {strides = array<i32>} : memref<8192xf32, #tpu.memory_space<vmem>>, vector<16xf32>,
      %parallel_loop3A_78 = vector.shape_cast %parallel_loop3A_77 : vector<16xf32> to vector<16xf32>
      %parallel_loop3A_79 = arith.constant 0 : i32
      %parallel_loop3A_80 = arith.constant 4 : i32
      %parallel_loop3A_81 = arith.addi %parallel_loop3A_79, %parallel_loop3A_80 : i32
      %parallel_loop3A_82 = arith.constant 1 : i32
      %parallel_loop3A_83 = scf.for %scan3A_85 = %parallel_loop3A_79 to %parallel_loop3A_81 step %parallel_loop3A_82 iter_args(%scan3A_86 = %parallel_loop3A_64) -> (vector<16xf32>)  : i32 {
        %parallel_loop3A_87 = arith.constant 4 : i32
        %parallel_loop3A_88 = arith.muli %scan3A_85, %parallel_loop3A_87 : i32
        %parallel_loop3A_89 = arith.constant 0 : i32
        %parallel_loop3A_90 = arith.addi %parallel_loop3A_88, %parallel_loop3A_89 : i32
        %parallel_loop3A_91 = vector.broadcast %parallel_loop3A_90 : i32 to vector<16xi32>
        %parallel_loop3A_92 = vector.shape_cast %parallel_loop3A_91 : vector<16xi32> to vector<16x1xi32>
        %parallel_loop3A_93 = vector.shape_cast %parallel_loop3A_92 : vector<16x1xi32> to vector<16xi32>
        %parallel_loop3A_94 = tpu.dynamic_gather %parallel_loop3A_69[%parallel_loop3A_93] in [0] : vector<16xf32>, vector<16xi32> -> vector<16xf32>
        %parallel_loop3A_95 = vector.broadcast %parallel_loop3A_90 : i32 to vector<16xi32>
        %parallel_loop3A_96 = vector.shape_cast %parallel_loop3A_95 : vector<16xi32> to vector<16x1xi32>
        %parallel_loop3A_97 = vector.shape_cast %parallel_loop3A_96 : vector<16x1xi32> to vector<16xi32>
        %parallel_loop3A_98 = tpu.dynamic_gather %parallel_loop3A_72[%parallel_loop3A_97] in [0] : vector<16xf32>, vector<16xi32> -> vector<16xf32>
        %parallel_loop3A_99 = vector.broadcast %parallel_loop3A_90 : i32 to vector<16xi32>
        %parallel_loop3A_100 = vector.shape_cast %parallel_loop3A_99 : vector<16xi32> to vector<16x1xi32>
        %parallel_loop3A_101 = vector.shape_cast %parallel_loop3A_100 : vector<16x1xi32> to vector<16xi32>
        %parallel_loop3A_102 = tpu.dynamic_gather %parallel_loop3A_75[%parallel_loop3A_101] in [0] : vector<16xf32>, vector<16xi32> -> vector<16xf32>
        %parallel_loop3A_103 = vector.broadcast %parallel_loop3A_90 : i32 to vector<16xi32>
        %parallel_loop3A_104 = vector.shape_cast %parallel_loop3A_103 : vector<16xi32> to vector<16x1xi32>
        %parallel_loop3A_105 = vector.shape_cast %parallel_loop3A_104 : vector<16x1xi32> to vector<16xi32>
        %parallel_loop3A_106 = tpu.dynamic_gather %parallel_loop3A_78[%parallel_loop3A_105] in [0] : vector<16xf32>, vector<16xi32> -> vector<16xf32>
        %parallel_loop3A_107 = arith.mulf %get3A_30, %parallel_loop3A_94 : vector<16xf32>
        %parallel_loop3A_108 = arith.mulf %get3A_33, %parallel_loop3A_98 : vector<16xf32>
        %parallel_loop3A_109 = arith.addf %parallel_loop3A_107, %parallel_loop3A_108 : vector<16xf32>
        %parallel_loop3A_110 = arith.mulf %get3A_36, %parallel_loop3A_102 : vector<16xf32>
        %parallel_loop3A_111 = arith.addf %parallel_loop3A_109, %parallel_loop3A_110 : vector<16xf32>
        %parallel_loop3A_112 = arith.subf %parallel_loop3A_111, %parallel_loop3A_106 : vector<16xf32>
        %parallel_loop3A_113 = arith.maximumf %scan3A_86, %parallel_loop3A_112 : vector<16xf32>
        %parallel_loop3A_114 = arith.constant 4 : i32
        %parallel_loop3A_115 = arith.muli %scan3A_85, %parallel_loop3A_114 : i32
        %parallel_loop3A_116 = arith.constant 1 : i32
        %parallel_loop3A_117 = arith.addi %parallel_loop3A_115, %parallel_loop3A_116 : i32
        %parallel_loop3A_118 = vector.broadcast %parallel_loop3A_117 : i32 to vector<16xi32>
        %parallel_loop3A_119 = vector.shape_cast %parallel_loop3A_118 : vector<16xi32> to vector<16x1xi32>
        %parallel_loop3A_120 = vector.shape_cast %parallel_loop3A_119 : vector<16x1xi32> to vector<16xi32>
        %parallel_loop3A_121 = tpu.dynamic_gather %parallel_loop3A_69[%parallel_loop3A_120] in [0] : vector<16xf32>, vector<16xi32> -> vector<16xf32>
        %parallel_loop3A_122 = vector.broadcast %parallel_loop3A_117 : i32 to vector<16xi32>
        %parallel_loop3A_123 = vector.shape_cast %parallel_loop3A_122 : vector<16xi32> to vector<16x1xi32>
        %parallel_loop3A_124 = vector.shape_cast %parallel_loop3A_123 : vector<16x1xi32> to vector<16xi32>
        %parallel_loop3A_125 = tpu.dynamic_gather %parallel_loop3A_72[%parallel_loop3A_124] in [0] : vector<16xf32>, vector<16xi32> -> vector<16xf32>
        %parallel_loop3A_126 = vector.broadcast %parallel_loop3A_117 : i32 to vector<16xi32>
        %parallel_loop3A_127 = vector.shape_cast %parallel_loop3A_126 : vector<16xi32> to vector<16x1xi32>
        %parallel_loop3A_128 = vector.shape_cast %parallel_loop3A_127 : vector<16x1xi32> to vector<16xi32>
        %parallel_loop3A_129 = tpu.dynamic_gather %parallel_loop3A_75[%parallel_loop3A_128] in [0] : vector<16xf32>, vector<16xi32> -> vector<16xf32>
        %parallel_loop3A_130 = vector.broadcast %parallel_loop3A_117 : i32 to vector<16xi32>
        %parallel_loop3A_131 = vector.shape_cast %parallel_loop3A_130 : vector<16xi32> to vector<16x1xi32>
        %parallel_loop3A_132 = vector.shape_cast %parallel_loop3A_131 : vector<16x1xi32> to vector<16xi32>
        %parallel_loop3A_133 = tpu.dynamic_gather %parallel_loop3A_78[%parallel_loop3A_132] in [0] : vector<16xf32>, vector<16xi32> -> vector<16xf32>
        %parallel_loop3A_134 = arith.mulf %get3A_30, %parallel_loop3A_121 : vector<16xf32>
        %parallel_loop3A_135 = arith.mulf %get3A_33, %parallel_loop3A_125 : vector<16xf32>
        %parallel_loop3A_136 = arith.addf %parallel_loop3A_134, %parallel_loop3A_135 : vector<16xf32>
        %parallel_loop3A_137 = arith.mulf %get3A_36, %parallel_loop3A_129 : vector<16xf32>
        %parallel_loop3A_138 = arith.addf %parallel_loop3A_136, %parallel_loop3A_137 : vector<16xf32>
        %parallel_loop3A_139 = arith.subf %parallel_loop3A_138, %parallel_loop3A_133 : vector<16xf32>
        %parallel_loop3A_140 = arith.maximumf %parallel_loop3A_113, %parallel_loop3A_139 : vector<16xf32>
        %parallel_loop3A_141 = arith.constant 4 : i32
        %parallel_loop3A_142 = arith.muli %scan3A_85, %parallel_loop3A_141 : i32
        %parallel_loop3A_143 = arith.constant 2 : i32
        %parallel_loop3A_144 = arith.addi %parallel_loop3A_142, %parallel_loop3A_143 : i32
        %parallel_loop3A_145 = vector.broadcast %parallel_loop3A_144 : i32 to vector<16xi32>
        %parallel_loop3A_146 = vector.shape_cast %parallel_loop3A_145 : vector<16xi32> to vector<16x1xi32>
        %parallel_loop3A_147 = vector.shape_cast %parallel_loop3A_146 : vector<16x1xi32> to vector<16xi32>
        %parallel_loop3A_148 = tpu.dynamic_gather %parallel_loop3A_69[%parallel_loop3A_147] in [0] : vector<16xf32>, vector<16xi32> -> vector<16xf32>
        %parallel_loop3A_149 = vector.broadcast %parallel_loop3A_144 : i32 to vector<16xi32>
        %parallel_loop3A_150 = vector.shape_cast %parallel_loop3A_149 : vector<16xi32> to vector<16x1xi32>
        %parallel_loop3A_151 = vector.shape_cast %parallel_loop3A_150 : vector<16x1xi32> to vector<16xi32>
        %parallel_loop3A_152 = tpu.dynamic_gather %parallel_loop3A_72[%parallel_loop3A_151] in [0] : vector<16xf32>, vector<16xi32> -> vector<16xf32>
        %parallel_loop3A_153 = vector.broadcast %parallel_loop3A_144 : i32 to vector<16xi32>
        %parallel_loop3A_154 = vector.shape_cast %parallel_loop3A_153 : vector<16xi32> to vector<16x1xi32>
        %parallel_loop3A_155 = vector.shape_cast %parallel_loop3A_154 : vector<16x1xi32> to vector<16xi32>
        %parallel_loop3A_156 = tpu.dynamic_gather %parallel_loop3A_75[%parallel_loop3A_155] in [0] : vector<16xf32>, vector<16xi32> -> vector<16xf32>
        %parallel_loop3A_157 = vector.broadcast %parallel_loop3A_144 : i32 to vector<16xi32>
        %parallel_loop3A_158 = vector.shape_cast %parallel_loop3A_157 : vector<16xi32> to vector<16x1xi32>
        %parallel_loop3A_159 = vector.shape_cast %parallel_loop3A_158 : vector<16x1xi32> to vector<16xi32>
        %parallel_loop3A_160 = tpu.dynamic_gather %parallel_loop3A_78[%parallel_loop3A_159] in [0] : vector<16xf32>, vector<16xi32> -> vector<16xf32>
        %parallel_loop3A_161 = arith.mulf %get3A_30, %parallel_loop3A_148 : vector<16xf32>
        %parallel_loop3A_162 = arith.mulf %get3A_33, %parallel_loop3A_152 : vector<16xf32>
        %parallel_loop3A_163 = arith.addf %parallel_loop3A_161, %parallel_loop3A_162 : vector<16xf32>
        %parallel_loop3A_164 = arith.mulf %get3A_36, %parallel_loop3A_156 : vector<16xf32>
        %parallel_loop3A_165 = arith.addf %parallel_loop3A_163, %parallel_loop3A_164 : vector<16xf32>
        %parallel_loop3A_166 = arith.subf %parallel_loop3A_165, %parallel_loop3A_160 : vector<16xf32>
        %parallel_loop3A_167 = arith.maximumf %parallel_loop3A_140, %parallel_loop3A_166 : vector<16xf32>
        %parallel_loop3A_168 = arith.constant 4 : i32
        %parallel_loop3A_169 = arith.muli %scan3A_85, %parallel_loop3A_168 : i32
        %parallel_loop3A_170 = arith.constant 3 : i32
        %parallel_loop3A_171 = arith.addi %parallel_loop3A_169, %parallel_loop3A_170 : i32
        %parallel_loop3A_172 = vector.broadcast %parallel_loop3A_171 : i32 to vector<16xi32>
        %parallel_loop3A_173 = vector.shape_cast %parallel_loop3A_172 : vector<16xi32> to vector<16x1xi32>
        %parallel_loop3A_174 = vector.shape_cast %parallel_loop3A_173 : vector<16x1xi32> to vector<16xi32>
        %parallel_loop3A_175 = tpu.dynamic_gather %parallel_loop3A_69[%parallel_loop3A_174] in [0] : vector<16xf32>, vector<16xi32> -> vector<16xf32>
        %parallel_loop3A_176 = vector.broadcast %parallel_loop3A_171 : i32 to vector<16xi32>
        %parallel_loop3A_177 = vector.shape_cast %parallel_loop3A_176 : vector<16xi32> to vector<16x1xi32>
        %parallel_loop3A_178 = vector.shape_cast %parallel_loop3A_177 : vector<16x1xi32> to vector<16xi32>
        %parallel_loop3A_179 = tpu.dynamic_gather %parallel_loop3A_72[%parallel_loop3A_178] in [0] : vector<16xf32>, vector<16xi32> -> vector<16xf32>
        %parallel_loop3A_180 = vector.broadcast %parallel_loop3A_171 : i32 to vector<16xi32>
        %parallel_loop3A_181 = vector.shape_cast %parallel_loop3A_180 : vector<16xi32> to vector<16x1xi32>
        %parallel_loop3A_182 = vector.shape_cast %parallel_loop3A_181 : vector<16x1xi32> to vector<16xi32>
        %parallel_loop3A_183 = tpu.dynamic_gather %parallel_loop3A_75[%parallel_loop3A_182] in [0] : vector<16xf32>, vector<16xi32> -> vector<16xf32>
        %parallel_loop3A_184 = vector.broadcast %parallel_loop3A_171 : i32 to vector<16xi32>
        %parallel_loop3A_185 = vector.shape_cast %parallel_loop3A_184 : vector<16xi32> to vector<16x1xi32>
        %parallel_loop3A_186 = vector.shape_cast %parallel_loop3A_185 : vector<16x1xi32> to vector<16xi32>
        %parallel_loop3A_187 = tpu.dynamic_gather %parallel_loop3A_78[%parallel_loop3A_186] in [0] : vector<16xf32>, vector<16xi32> -> vector<16xf32>
        %parallel_loop3A_188 = arith.mulf %get3A_30, %parallel_loop3A_175 : vector<16xf32>
        %parallel_loop3A_189 = arith.mulf %get3A_33, %parallel_loop3A_179 : vector<16xf32>
        %parallel_loop3A_190 = arith.addf %parallel_loop3A_188, %parallel_loop3A_189 : vector<16xf32>
        %parallel_loop3A_191 = arith.mulf %get3A_36, %parallel_loop3A_183 : vector<16xf32>
        %parallel_loop3A_192 = arith.addf %parallel_loop3A_190, %parallel_loop3A_191 : vector<16xf32>
        %parallel_loop3A_193 = arith.subf %parallel_loop3A_192, %parallel_loop3A_187 : vector<16xf32>
        %parallel_loop3A_194 = arith.maximumf %parallel_loop3A_167, %parallel_loop3A_193 : vector<16xf32>
        scf.yield %parallel_loop3A_194 : vector<16xf32>
      }
      %parallel_loop3A_84 = arith.constant 4 : i32
      scf.yield %parallel_loop3A_83 : vector<16xf32>
    } {sc.loop_unroll_factor = 1 : i64, sc.parallel_access}
    %mul3A_41 = arith.mulf %get3A_30, %get3A_30 : vector<16xf32>
    %mul3A_42 = arith.mulf %get3A_33, %get3A_33 : vector<16xf32>
    %add3A_43 = arith.addf %mul3A_41, %mul3A_42 : vector<16xf32>
    %mul3A_44 = arith.mulf %get3A_36, %get3A_36 : vector<16xf32>
    %add3A_45 = arith.addf %add3A_43, %mul3A_44 : vector<16xf32>
    %add3A_46 = arith.addf %parallel_loop3A_40, %parallel_loop3A_40 : vector<16xf32>
    %sub3A = arith.subf %add3A_45, %add3A_46 : vector<16xf32>
    %max3A = arith.constant 0.000000e+00 : f32
    %max3A_47 = vector.broadcast %max3A : f32 to vector<16xf32>
    %max3A_48 = arith.maximumf %sub3A, %max3A_47 : vector<16xf32>
    %mul3A_49 = arith.constant 16 : i32
    %mul3A_50 = arith.muli %scan3A_23, %mul3A_49 : i32
    %add3A_51 = arith.constant 0 : i32
    %add3A_52 = arith.addi %add3A_51, %mul3A_50 : i32
    %add3A_53 = arith.constant 0 : i32
    %add3A_54 = arith.addi %add3A_52, %add3A_53 : i32
    %swap3A = arith.index_cast %add3A_54 : i32 to index
    %swap3A_55 = tpu.vector_load %arg19[%swap3A] {strides = array<i32>} : memref<16xf32, #tpu.memory_space<vmem>>, vector<16xf32>,
    %swap3A_56 = vector.shape_cast %swap3A_55 : vector<16xf32> to vector<16xf32>
    %swap3A_57 = vector.shape_cast %max3A_48 : vector<16xf32> to vector<16xf32>
    tpu.vector_store %arg19[%swap3A], %swap3A_57 {strides = array<i32>} : memref<16xf32, #tpu.memory_space<vmem>>, vector<16xf32>,
    %scan3A_58 = arith.constant 1 : i32
    %mul3A_59 = arith.constant 256 : i32
    %mul3A_60 = arith.muli %add3A, %mul3A_59 : i32
    "tpu.region"() ({
      %run_scoped3A = tpu.sem_alloc : memref<!tpu.dma_semaphore, #tpu.memory_space<semaphore_mem>>
      %dma_start3A = tpu.memref_slice %arg8[%mul3A_60] : memref<8192xf32, #tpu.memory_space<hbm>> -> memref<256xf32, #tpu.memory_space<hbm>>
      %dma_start3A_63 = tpu.memref_slice %arg8[%mul3A_60] : memref<8192xf32, #tpu.memory_space<hbm>> -> memref<256xf32, #tpu.memory_space<hbm>>
      tpu.enqueue_dma source(%arg18 : memref<256xf32, #tpu.memory_space<vmem>>) target(%dma_start3A_63 : memref<256xf32, #tpu.memory_space<hbm>>) target_semaphore(%run_scoped3A : memref<!tpu.dma_semaphore, #tpu.memory_space<semaphore_mem>>)
      %dma_wait3A = tpu.memref_slice %arg8[%mul3A_60] : memref<8192xf32, #tpu.memory_space<hbm>> -> memref<256xf32, #tpu.memory_space<hbm>>
      %dma_wait3A_64 = tpu.memref_slice %arg8[%mul3A_60] : memref<8192xf32, #tpu.memory_space<hbm>> -> memref<256xf32, #tpu.memory_space<hbm>>
      tpu.wait_dma2 semaphore(%run_scoped3A : memref<!tpu.dma_semaphore, #tpu.memory_space<semaphore_mem>>) src(%arg18 : memref<256xf32, #tpu.memory_space<vmem>>) dst(%dma_wait3A_64 : memref<256xf32, #tpu.memory_space<hbm>>)
      tpu.yield
    }) : () -> ()
    %mul3A_61 = arith.constant 16 : i32
    %mul3A_62 = arith.muli %add3A, %mul3A_61 : i32
    "tpu.region"() ({
      %run_scoped3A = tpu.sem_alloc : memref<!tpu.dma_semaphore, #tpu.memory_space<semaphore_mem>>
      %dma_start3A = tpu.memref_slice %arg9[%mul3A_62] : memref<512xf32, #tpu.memory_space<hbm>> -> memref<16xf32, #tpu.memory_space<hbm>>
      %dma_start3A_63 = tpu.memref_slice %arg9[%mul3A_62] : memref<512xf32, #tpu.memory_space<hbm>> -> memref<16xf32, #tpu.memory_space<hbm>>
      tpu.enqueue_dma source(%arg19 : memref<16xf32, #tpu.memory_space<vmem>>) target(%dma_start3A_63 : memref<16xf32, #tpu.memory_space<hbm>>) target_semaphore(%run_scoped3A : memref<!tpu.dma_semaphore, #tpu.memory_space<semaphore_mem>>)
      %dma_wait3A = tpu.memref_slice %arg9[%mul3A_62] : memref<512xf32, #tpu.memory_space<hbm>> -> memref<16xf32, #tpu.memory_space<hbm>>
      %dma_wait3A_64 = tpu.memref_slice %arg9[%mul3A_62] : memref<512xf32, #tpu.memory_space<hbm>> -> memref<16xf32, #tpu.memory_space<hbm>>
      tpu.wait_dma2 semaphore(%run_scoped3A : memref<!tpu.dma_semaphore, #tpu.memory_space<semaphore_mem>>) src(%arg19 : memref<16xf32, #tpu.memory_space<vmem>>) dst(%dma_wait3A_64 : memref<16xf32, #tpu.memory_space<hbm>>)
      tpu.yield
    }) : () -> ()
    return
  }
}

module attributes {stable_mosaic.version = 14 : i64} {
  func.func @_tc_body(%arg0: i32, %arg1: memref<8192x3xf32, #tpu.memory_space<vmem>>, %arg2: memref<3x512xf32, #tpu.memory_space<vmem>>, %arg3: memref<8192x1xf32, #tpu.memory_space<vmem>>, %arg4: memref<1x512xf32, #tpu.memory_space<vmem>>, %arg5: memref<8192x128xf32, #tpu.memory_space<vmem>>) attributes {dimension_semantics = [#tpu.dimension_semantics<arbitrary>], iteration_bounds = array<i64: 15>, scalar_prefetch = 0 : i64, scratch_operands = 1 : i64, tpu.core_type = #tpu.core_type<tc>, window_params = [{pipeline_mode = #tpu.pipeline_mode<synchronous>, transform_indices = @transform_0, window_bounds = array<i64: 8192, 3>}, {transform_indices = @transform_1, window_bounds = array<i64: 3, 512>}, {pipeline_mode = #tpu.pipeline_mode<synchronous>, transform_indices = @transform_2, window_bounds = array<i64: 8192, 1>}, {transform_indices = @transform_3, window_bounds = array<i64: 1, 512>}]} {
    %get3A = arith.constant 0 : index
    %get3A_0 = arith.constant 0 : index
    %get3A_1 = vector.load %arg1[%get3A, %get3A_0] : memref<8192x3xf32, #tpu.memory_space<vmem>>, vector<8192x1xf32>
    %get3A_2 = arith.constant 0 : index
    %get3A_3 = arith.constant 1 : index
    %get3A_4 = vector.load %arg1[%get3A_2, %get3A_3] : memref<8192x3xf32, #tpu.memory_space<vmem>>, vector<8192x1xf32>
    %get3A_5 = arith.constant 0 : index
    %get3A_6 = arith.constant 2 : index
    %get3A_7 = vector.load %arg1[%get3A_5, %get3A_6] : memref<8192x3xf32, #tpu.memory_space<vmem>>, vector<8192x1xf32>
    %get3A_8 = arith.constant 0 : index
    %get3A_9 = arith.constant 0 : index
    %get3A_10 = vector.load %arg2[%get3A_8, %get3A_9] : memref<3x512xf32, #tpu.memory_space<vmem>>, vector<1x512xf32>
    %get3A_11 = arith.constant 1 : index
    %get3A_12 = arith.constant 0 : index
    %get3A_13 = vector.load %arg2[%get3A_11, %get3A_12] : memref<3x512xf32, #tpu.memory_space<vmem>>, vector<1x512xf32>
    %get3A_14 = arith.constant 2 : index
    %get3A_15 = arith.constant 0 : index
    %get3A_16 = vector.load %arg2[%get3A_14, %get3A_15] : memref<3x512xf32, #tpu.memory_space<vmem>>, vector<1x512xf32>
    %sub3A = vector.broadcast %get3A_1 : vector<8192x1xf32> to vector<8192x512xf32>
    %sub3A_17 = vector.broadcast %get3A_10 : vector<1x512xf32> to vector<8192x512xf32>
    %sub3A_18 = arith.subf %sub3A, %sub3A_17 : vector<8192x512xf32>
    %sub3A_19 = vector.broadcast %get3A_4 : vector<8192x1xf32> to vector<8192x512xf32>
    %sub3A_20 = vector.broadcast %get3A_13 : vector<1x512xf32> to vector<8192x512xf32>
    %sub3A_21 = arith.subf %sub3A_19, %sub3A_20 : vector<8192x512xf32>
    %sub3A_22 = vector.broadcast %get3A_7 : vector<8192x1xf32> to vector<8192x512xf32>
    %sub3A_23 = vector.broadcast %get3A_16 : vector<1x512xf32> to vector<8192x512xf32>
    %sub3A_24 = arith.subf %sub3A_22, %sub3A_23 : vector<8192x512xf32>
    %mul3A = arith.mulf %sub3A_24, %sub3A_24 : vector<8192x512xf32>
    %mul3A_25 = arith.mulf %sub3A_21, %sub3A_21 : vector<8192x512xf32>
    %mul3A_26 = arith.mulf %sub3A_18, %sub3A_18 : vector<8192x512xf32>
    %add3A = arith.addf %mul3A_25, %mul3A_26 : vector<8192x512xf32>
    %add3A_27 = arith.addf %mul3A, %add3A : vector<8192x512xf32>
    %slice3A = vector.extract_strided_slice %add3A_27 {offsets = [0, 0], sizes = [8192, 128], strides = [1, 1]} : vector<8192x512xf32> to vector<8192x128xf32>
    %slice3A_28 = vector.extract_strided_slice %add3A_27 {offsets = [0, 128], sizes = [8192, 128], strides = [1, 1]} : vector<8192x512xf32> to vector<8192x128xf32>
    %min3A = arith.minimumf %slice3A, %slice3A_28 : vector<8192x128xf32>
    %slice3A_29 = vector.extract_strided_slice %add3A_27 {offsets = [0, 256], sizes = [8192, 128], strides = [1, 1]} : vector<8192x512xf32> to vector<8192x128xf32>
    %slice3A_30 = vector.extract_strided_slice %add3A_27 {offsets = [0, 384], sizes = [8192, 128], strides = [1, 1]} : vector<8192x512xf32> to vector<8192x128xf32>
    %min3A_31 = arith.minimumf %slice3A_29, %slice3A_30 : vector<8192x128xf32>
    %min3A_32 = arith.minimumf %min3A, %min3A_31 : vector<8192x128xf32>
    %reduce_min3A = arith.constant dense<0x7F800000> : vector<512xf32>
    %reduce_min3A_33 = vector.multi_reduction <minimumf>, %add3A_27, %reduce_min3A [0] : vector<8192x512xf32> to vector<512xf32>
    %broadcast_in_dim3A = vector.shape_cast %reduce_min3A_33 : vector<512xf32> to vector<1x512xf32>
    %swap3A = arith.constant 0 : index
    %swap3A_34 = arith.constant 0 : index
    %swap3A_35 = vector.load %arg4[%swap3A, %swap3A_34] : memref<1x512xf32, #tpu.memory_space<vmem>>, vector<1x512xf32>
    tpu.vector_store %arg4[%swap3A, %swap3A_34], %broadcast_in_dim3A {strides = array<i32>} : memref<1x512xf32, #tpu.memory_space<vmem>>, vector<1x512xf32>,
    %eq3A = arith.constant 0 : i32
    %eq3A_36 = arith.cmpi eq, %arg0, %eq3A : i32
    %convert_element_type3A = arith.extui %eq3A_36 : i1 to i32
    %cond3A = arith.constant 0 : i32
    %cond3A_37 = arith.cmpi ne, %convert_element_type3A, %cond3A : i32
    scf.if %cond3A_37 {
      %swap3A_47 = arith.constant 0 : index
      %swap3A_48 = arith.constant 0 : index
      %swap3A_49 = vector.load %arg5[%swap3A_47, %swap3A_48] : memref<8192x128xf32, #tpu.memory_space<vmem>>, vector<8192x128xf32>
      tpu.vector_store %arg5[%swap3A_47, %swap3A_48], %min3A_32 {strides = array<i32>} : memref<8192x128xf32, #tpu.memory_space<vmem>>, vector<8192x128xf32>,
    } else {
    }
    %gt3A = arith.constant 0 : i32
    %gt3A_38 = arith.cmpi sgt, %arg0, %gt3A : i32
    %convert_element_type3A_39 = arith.extui %gt3A_38 : i1 to i32
    %cond3A_40 = arith.constant 0 : i32
    %cond3A_41 = arith.cmpi ne, %convert_element_type3A_39, %cond3A_40 : i32
    scf.if %cond3A_41 {
      %get3A_47 = arith.constant 0 : index
      %get3A_48 = arith.constant 0 : index
      %get3A_49 = vector.load %arg5[%get3A_47, %get3A_48] : memref<8192x128xf32, #tpu.memory_space<vmem>>, vector<8192x128xf32>
      %min3A_50 = arith.minimumf %get3A_49, %min3A_32 : vector<8192x128xf32>
      %swap3A_51 = arith.constant 0 : index
      %swap3A_52 = arith.constant 0 : index
      %swap3A_53 = vector.load %arg5[%swap3A_51, %swap3A_52] : memref<8192x128xf32, #tpu.memory_space<vmem>>, vector<8192x128xf32>
      tpu.vector_store %arg5[%swap3A_51, %swap3A_52], %min3A_50 {strides = array<i32>} : memref<8192x128xf32, #tpu.memory_space<vmem>>, vector<8192x128xf32>,
    } else {
    }
    %eq3A_42 = arith.constant 14 : i32
    %eq3A_43 = arith.cmpi eq, %arg0, %eq3A_42 : i32
    %convert_element_type3A_44 = arith.extui %eq3A_43 : i1 to i32
    %cond3A_45 = arith.constant 0 : i32
    %cond3A_46 = arith.cmpi ne, %convert_element_type3A_44, %cond3A_45 : i32
    scf.if %cond3A_46 {
      %get3A_47 = arith.constant 0 : index
      %get3A_48 = arith.constant 0 : index
      %get3A_49 = vector.load %arg5[%get3A_47, %get3A_48] : memref<8192x128xf32, #tpu.memory_space<vmem>>, vector<8192x128xf32>
      %reduce_min3A_50 = arith.constant dense<0x7F800000> : vector<8192xf32>
      %reduce_min3A_51 = vector.multi_reduction <minimumf>, %get3A_49, %reduce_min3A_50 [1] : vector<8192x128xf32> to vector<8192xf32>
      %broadcast_in_dim3A_52 = vector.shape_cast %reduce_min3A_51 : vector<8192xf32> to vector<8192x1xf32>
      %swap3A_53 = arith.constant 0 : index
      %swap3A_54 = arith.constant 0 : index
      %swap3A_55 = vector.load %arg3[%swap3A_53, %swap3A_54] : memref<8192x1xf32, #tpu.memory_space<vmem>>, vector<8192x1xf32>
      tpu.vector_store %arg3[%swap3A_53, %swap3A_54], %broadcast_in_dim3A_52 {strides = array<i32>} : memref<8192x1xf32, #tpu.memory_space<vmem>>, vector<8192x1xf32>,
    } else {
    }
    return
  }
  func.func @transform_0(%arg0: i32) -> (i32, i32) {
    %c0_i32 = arith.constant 0 : i32
    %c0_i32_0 = arith.constant 0 : i32
    %c0_i32_1 = arith.constant 0 : i32
    return %c0_i32, %c0_i32_0 : i32, i32
  }
  func.func @transform_1(%arg0: i32) -> (i32, i32) {
    %add3A = arith.constant 1 : i32
    %add3A_0 = arith.addi %arg0, %add3A : i32
    %c0_i32 = arith.constant 0 : i32
    %c0_i32_1 = arith.constant 0 : i32
    return %c0_i32, %add3A_0 : i32, i32
  }
  func.func @transform_2(%arg0: i32) -> (i32, i32) {
    %c0_i32 = arith.constant 0 : i32
    %c0_i32_0 = arith.constant 0 : i32
    %c0_i32_1 = arith.constant 0 : i32
    return %c0_i32, %c0_i32_0 : i32, i32
  }
  func.func @transform_3(%arg0: i32) -> (i32, i32) {
    %c0_i32 = arith.constant 0 : i32
    %c0_i32_0 = arith.constant 0 : i32
    return %c0_i32, %arg0 : i32, i32
  }
}

module attributes {stable_mosaic.version = 14 : i64} {
  func.func @_combine_body(%arg0: memref<8192x1xf32, #tpu.memory_space<vmem>>, %arg1: memref<8192x1xf32, #tpu.memory_space<vmem>>, %arg2: memref<1x7680xf32, #tpu.memory_space<vmem>>, %arg3: memref<1x512xf32, #tpu.memory_space<vmem>>, %arg4: memref<1x1xf32, #tpu.memory_space<smem>>) attributes {dimension_semantics = [], scalar_prefetch = 0 : i64, scratch_operands = 0 : i64, tpu.core_type = #tpu.core_type<tc>} {
    %get3A = arith.constant 0 : index
    %get3A_0 = arith.constant 0 : index
    %get3A_1 = vector.load %arg0[%get3A, %get3A_0] : memref<8192x1xf32, #tpu.memory_space<vmem>>, vector<8192x1xf32>
    %get3A_2 = arith.constant 0 : index
    %get3A_3 = arith.constant 0 : index
    %get3A_4 = vector.load %arg1[%get3A_2, %get3A_3] : memref<8192x1xf32, #tpu.memory_space<vmem>>, vector<8192x1xf32>
    %min3A = arith.minimumf %get3A_1, %get3A_4 : vector<8192x1xf32>
    %max3A = arith.constant 0.000000e+00 : f32
    %max3A_5 = vector.broadcast %max3A : f32 to vector<8192x1xf32>
    %max3A_6 = arith.maximumf %min3A, %max3A_5 : vector<8192x1xf32>
    %sqrt3A = math.sqrt %max3A_6 : vector<8192x1xf32>
    %reduce_sum3A = vector.shape_cast %sqrt3A : vector<8192x1xf32> to vector<1x8192x1xf32>
    %reduce_sum3A_7 = arith.constant dense<0.000000e+00> : vector<1xf32>
    %reduce_sum3A_8 = vector.multi_reduction <add>, %reduce_sum3A, %reduce_sum3A_7 [1, 2] : vector<1x8192x1xf32> to vector<1xf32>
    %reduce_sum3A_9 = vector.shape_cast %reduce_sum3A_8 : vector<1xf32> to vector<1x1x1xf32>
    %reduce_sum3A_10 = vector.extract %reduce_sum3A_9[0, 0, 0] : f32 from vector<1x1x1xf32>
    %get3A_11 = arith.constant 0 : index
    %get3A_12 = arith.constant 0 : index
    %get3A_13 = vector.load %arg2[%get3A_11, %get3A_12] : memref<1x7680xf32, #tpu.memory_space<vmem>>, vector<1x7680xf32>
    %max3A_14 = arith.constant 0.000000e+00 : f32
    %max3A_15 = vector.broadcast %max3A_14 : f32 to vector<1x7680xf32>
    %max3A_16 = arith.maximumf %get3A_13, %max3A_15 : vector<1x7680xf32>
    %sqrt3A_17 = math.sqrt %max3A_16 : vector<1x7680xf32>
    %reduce_sum3A_18 = vector.shape_cast %sqrt3A_17 : vector<1x7680xf32> to vector<1x1x7680xf32>
    %reduce_sum3A_19 = arith.constant dense<0.000000e+00> : vector<1xf32>
    %reduce_sum3A_20 = vector.multi_reduction <add>, %reduce_sum3A_18, %reduce_sum3A_19 [1, 2] : vector<1x1x7680xf32> to vector<1xf32>
    %reduce_sum3A_21 = vector.shape_cast %reduce_sum3A_20 : vector<1xf32> to vector<1x1x1xf32>
    %reduce_sum3A_22 = vector.extract %reduce_sum3A_21[0, 0, 0] : f32 from vector<1x1x1xf32>
    %get3A_23 = arith.constant 0 : index
    %get3A_24 = arith.constant 0 : index
    %get3A_25 = vector.load %arg3[%get3A_23, %get3A_24] : memref<1x512xf32, #tpu.memory_space<vmem>>, vector<1x512xf32>
    %max3A_26 = arith.constant 0.000000e+00 : f32
    %max3A_27 = vector.broadcast %max3A_26 : f32 to vector<1x512xf32>
    %max3A_28 = arith.maximumf %get3A_25, %max3A_27 : vector<1x512xf32>
    %sqrt3A_29 = math.sqrt %max3A_28 : vector<1x512xf32>
    %reduce_sum3A_30 = vector.shape_cast %sqrt3A_29 : vector<1x512xf32> to vector<1x1x512xf32>
    %reduce_sum3A_31 = arith.constant dense<0.000000e+00> : vector<1xf32>
    %reduce_sum3A_32 = vector.multi_reduction <add>, %reduce_sum3A_30, %reduce_sum3A_31 [1, 2] : vector<1x1x512xf32> to vector<1xf32>
    %reduce_sum3A_33 = vector.shape_cast %reduce_sum3A_32 : vector<1xf32> to vector<1x1x1xf32>
    %reduce_sum3A_34 = vector.extract %reduce_sum3A_33[0, 0, 0] : f32 from vector<1x1x1xf32>
    %add3A = arith.addf %reduce_sum3A_22, %reduce_sum3A_34 : f32
    %mul3A = arith.constant 1.22070313E-4 : f32
    %mul3A_35 = arith.mulf %reduce_sum3A_10, %mul3A : f32
    %mul3A_36 = arith.constant 1.22070313E-4 : f32
    %mul3A_37 = arith.mulf %add3A, %mul3A_36 : f32
    %add3A_38 = arith.addf %mul3A_35, %mul3A_37 : f32
    %swap3A = arith.constant 0 : index
    %swap3A_39 = arith.constant 0 : index
    %swap3A_40 = memref.load %arg4[%swap3A, %swap3A_39] : memref<1x1xf32, #tpu.memory_space<smem>>
    memref.store %add3A_38, %arg4[%swap3A, %swap3A_39] : memref<1x1xf32, #tpu.memory_space<smem>>
    return
  }
}

</mosaic_0001>

<sc_bundles>
// kernel: kernel.5.cloned.1.call-start
scs
__scs_entry_jumppad:
0x0: {  	(pc) =	sbr.rel $0x88, $3  }
0x1: {  	(tag) =	ssettag $0x0;
	lr =	simm.s32 $0x1  }
0x2: {  	[smem:$0x3F9F] =	sst lr;
	_ =	strace $0xD0000000  }
0x3: {  	_ = 	snop  }
0x4: {  	_ = 	snop  }
0x5: {  	_ = 	snop  }
0x6: {  	_ = 	snop  }
0x7: {  	_ = 	snop  }
__scs_overlays_trampoline_lowered:
0x8: {  	[smem:$0x3FAE] =	sst s0  }
0x9: {  	[smem:$0x3FAF] =	sst s1  }
0xa: {  	[smem:$0x3FB0] =	sst s2  }
0xb: {  	[smem:$0x3FB1] =	sst s3  }
0xc: {  	[smem:$0x3FB2] =	sst s4  }
0xd: {  	[smem:$0x3FB3] =	sst s5  }
0xe: {  	[smem:$0x3FB4] =	sst s6  }
0xf: {  	[smem:$0x3FB5] =	sst s7  }
0x10: {  	[smem:$0x3FB6] =	sst s8  }
0x11: {  	[smem:$0x3FB7] =	sst s9;
	s0 =	simm.s32 @!p0 $0x0  }
0x12: {  	s1 =	sld [smem:$0x3F9D];
	s0 =	simm.s32 @p0 $0x1  }
0x13: {  	[smem:$0x3FB8] =	sst s0;
	s0 =	simm.s32 @!p1 $0x0  }
0x14: {  	s2 =	sld [smem:$0x3F9C];
	s0 =	simm.s32 @p1 $0x1  }
0x15: {  	[smem:$0x3FB9] =	sst s0;
	s0 =	simm.s32 @!p2 $0x0  }
0x16: {  	s3 =	sld [smem:$0x3FDB];
	s0 =	simm.s32 @p2 $0x1  }
0x17: {  	s4 =	simm.s32 $0x1BF5;
	[smem:$0x3FBB] =	sst s0  }
0x18: {  	s0 =	sld [smem:$0x3F9E];
	_ =	swait.ge [sflag:s4], $0x0  }
0x19: {  	s7 =	sld [smem:$0x3F9F]  }
0x1a: {  	s8 =	sadd.s32 $0xFFFFE003, lr  }
0x1b: {  	s9 =	sadd.s32 $0xFFFFFEF7, lr;
	s5 =	simm.s32 $0xFFFFFFFF;
	p2 =	slt.u32 s8, $0xFFFFF086  }
0x1c: {  	p1 =	slt.u32 s9, $0xF7A;
	s5 =	simm.s32 @!p2 $0x0  }
0x1d: {  	s5 =	simm.s32 @p1 $0x1;
	p0 =	seq.s32 s7, s2  }
0x1e: {  	s7 =	smul.u32 @!p0 $0xF7A, s2;
	p2 =	seq.s32 @!p0 s5, $0x0  }
0x1f: {  	s9 =	smul.u32 $0xF7A, s1;
	s8 =	simm.s32 @!p0 $0x1BF5;
	p2 =	por !p2, p0  }
0x20: {  	[sflag:s8] =	ssyncset.s32 @!p0 $0xFFFFF086;
	s6 =	sadd.s32 @!p0 s3, s7;
	s7 =	simm.s32 @!p0 $0x108  }
0x21: {  	s3 =	sadd.s32 s3, s9;
	s6 =	sadd.s32 @!p0 $0x88, s6;
	s7 =	simm.s32 @p2 $0x1082  }
0x22: {  	[simem:s7], [sflag:s8] =	dma.local @!p0 [hbm:s6], $0xF7A  }
0x23: {  	s9 =	sor.u32 $0xD0000000, s2;
	s6 =	simm.s32 $0x108;
	_ =	swait.ge @!p0 [sflag:s8], $0x0  }
0x24: {  	s3 =	sadd.s32 $0x88, s3;
	s6 =	simm.s32 @!p1 $0x1082;
	[sflag:s4] =	ssyncset.s32 $0xFFFFF086  }
0x25: {  	[simem:s6], [sflag:s4] =	dma.local [hbm:s3], $0xF7A  }
0x26: {  	[smem:$0x3F9F] =	sst s1;
	(tag) =	ssettag s2;
	_ =	strace s9  }
0x27: {  	s1 =	sld [smem:$0x3FAF]  }
0x28: {  	s2 =	sld [smem:$0x3FB0]  }
0x29: {  	s4 =	sld [smem:$0x3FB2]  }
0x2a: {  	p0 =	seq.s32 s5, $0x0;
	s5 =	sld [smem:$0x3FB3]  }
0x2b: {  	s6 =	sld [smem:$0x3FB4]  }
0x2c: {  	s7 =	sld [smem:$0x3FB5]  }
0x2d: {  	s3 =	simm.s32 $0x108;
	s8 =	sld [smem:$0x3FB6]  }
0x2e: {  	s3 =	simm.s32 @!p0 $0x1082;
	s9 =	sld [smem:$0x3FB7]  }
0x2f: {  	lr =	sadd.s32 s0, s3;
	s0 =	sld [smem:$0x3FAE]  }
0x30: {  	s3 =	sld [smem:$0x3FB1]  }
0x31: {  	[smem:$0x3FBA] =	sst s10  }
0x32: {  	s10 =	sld [smem:$0x3FB8];
	_ =	sdelay $0x3  }
0x33: {  	p0 =	seq.s32 s10, $0x1;
	s10 =	sld [smem:$0x3FBA];
	_ =	sdelay $0x3  }
0x34: {  	[smem:$0x3FBA] =	sst s10  }
0x35: {  	s10 =	sld [smem:$0x3FB9];
	_ =	sdelay $0x3  }
0x36: {  	p1 =	seq.s32 s10, $0x1;
	s10 =	sld [smem:$0x3FBA];
	_ =	sdelay $0x3  }
0x37: {  	[smem:$0x3FBA] =	sst s10  }
0x38: {  	s10 =	sld [smem:$0x3FBB]  }
0x39: {  	_ = 	snop;
	(pc) =	sbr.ind lr, $3  }
0x3a: {  	_ = 	snop  }
0x3b: {  	_ = 	snop  }
0x3c: {  	p2 =	seq.s32 s10, $0x1;
	s10 =	sld [smem:$0x3FBA]  }
0x3d: {  	_ =	shalt  }
0x3e: {  	_ =	shalt  }
0x3f: {  	_ =	shalt  }
0x40: {  	_ =	shalt  }
0x41: {  	_ =	shalt  }
0x42: {  	_ =	shalt  }
0x43: {  	_ =	shalt  }
0x44: {  	_ =	shalt  }
0x45: {  	_ =	shalt  }
0x46: {  	_ =	shalt  }
0x47: {  	_ =	shalt  }
0x48: {  	_ =	shalt  }
0x49: {  	_ =	shalt  }
0x4a: {  	_ =	shalt  }
0x4b: {  	_ =	shalt  }
0x4c: {  	_ =	shalt  }
0x4d: {  	_ =	shalt  }
0x4e: {  	_ =	shalt  }
0x4f: {  	_ =	shalt  }
0x50: {  	_ =	shalt  }
0x51: {  	_ =	shalt  }
0x52: {  	_ =	shalt  }
0x53: {  	_ =	shalt  }
0x54: {  	_ =	shalt  }
0x55: {  	_ =	shalt  }
0x56: {  	_ =	shalt  }
0x57: {  	_ =	shalt  }
0x58: {  	_ =	shalt  }
0x59: {  	_ =	shalt  }
0x5a: {  	_ =	shalt  }
0x5b: {  	_ =	shalt  }
0x5c: {  	_ =	shalt  }
0x5d: {  	_ =	shalt  }
0x5e: {  	_ =	shalt  }
0x5f: {  	_ =	shalt  }
0x60: {  	_ =	shalt  }
0x61: {  	_ =	shalt  }
0x62: {  	_ =	shalt  }
0x63: {  	_ =	shalt  }
0x64: {  	_ =	shalt  }
0x65: {  	_ =	shalt  }
0x66: {  	_ =	shalt  }
0x67: {  	_ =	shalt  }
0x68: {  	_ =	shalt  }
0x69: {  	_ =	shalt  }
0x6a: {  	_ =	shalt  }
0x6b: {  	_ =	shalt  }
0x6c: {  	_ =	shalt  }
0x6d: {  	_ =	shalt  }
0x6e: {  	_ =	shalt  }
0x6f: {  	_ =	shalt  }
0x70: {  	_ =	shalt  }
0x71: {  	_ =	shalt  }
0x72: {  	_ =	shalt  }
0x73: {  	_ =	shalt  }
0x74: {  	_ =	shalt  }
0x75: {  	_ =	shalt  }
0x76: {  	_ =	shalt  }
0x77: {  	_ =	shalt  }
0x78: {  	_ =	shalt  }
0x79: {  	_ =	shalt  }
0x7a: {  	_ =	shalt  }
0x7b: {  	_ =	shalt  }
0x7c: {  	_ =	shalt  }
0x7d: {  	_ =	shalt  }
0x7e: {  	_ =	shalt  }
0x7f: {  	_ =	shalt  }
0x80: {  	_ =	shalt  }
0x81: {  	_ =	shalt  }
0x82: {  	_ =	shalt  }
0x83: {  	_ =	shalt  }
0x84: {  	_ =	shalt  }
0x85: {  	_ =	shalt  }
0x86: {  	_ =	shalt  }
0x87: {  	_ =	shalt  }
.Lfunc_end0:
.L_simem_size_0:
called_computation_lowered:
.L_overlay_start_0:
0x88: {  	s2 =	sld [smem:$0x3FD9]  }
0x89: {  	s3 =	sld [smem:$0x3FFE];
	_ =	sdelay $0x1  }
0x8a: {  	s1 =	srdreg.scid  }
0x8b: {  	s0 =	sand.u32 $0x1, s1  }
0x8c: {  	s16 =	sshll.u32 s0, $0xA;
	s2 =	sadd.s32 s3, s2  }
0x8d: {  	s2 =	sadd.s32 s2, s16  }
0x8e: {  	[smem:$0x3FC6] =	sst s2  }
0x8f: {  	_ = 	snop  }
0x90: {  	(tm) =	ssettm $0x1  }
0x91: {  	s17 =	sld [smem:$0x3FFB];
	_ =	sdelay $0x3  }
0x92: {  	_ =	strace s17  }
0x93: {  	s2 =	sld [smem:$0x3FFC];
	_ =	sdelay $0x3  }
0x94: {  	_ =	strace s2  }
0x95: {  	s2 =	sld [smem:$0x3FFD];
	_ =	sdelay $0x3  }
0x96: {  	_ =	strace s2  }
0x97: {  	_ =	strace $0x8FFFFFFF  }
0x98: {  	s18 =	sld [smem:$0x3FDB];
	_ =	sdelay $0x1  }
0x99: {  	s19 =	simm.s32 $_scs_section_size  }
0x9a: {  	s4 =	simm.s32 $_size__tile_overlayer_lowered;
	s5 =	simm.s32 $_tile_overlayer_lowered  }
0x9b: {  	s22 =	simm.s32 $0x1BFF;
	s21 =	sshll.u32 s5, $0x1;
	s2 =	sadd.s32 s19, s18  }
0x9c: {  	s6 =	simm.s32 $0x0;
	s20 =	sshll.u32 s4, $0x1;
	s4 =	sadd.s32 s21, s2  }
0x9d: {  	[timem:s6], [sflag:s22] =	dma.local [hbm:s4], s20  }
0x9e: {  	_ =	swait.ge [sflag:s22], s20  }
0x9f: {  	s3 =	ssub.s32 $0x0, s20;
	[sflag:s22] =	ssyncset.done $0x0  }
0xa0: {  	[sflag:s22] =	ssyncadd.s32 s3;
	_ =	sdelay $0x1  }
0xa1: {  	s23 =	simm.s32 $0x1B8B  }
0xa2: {  	_ =	swait.ge [sflag:s23], $0x1  }
0xa3: {  	[sflag:s23] =	ssyncset.done $0x0  }
0xa4: {  	s25 =	simm.s32 $0x1B8E;
	s24 =	sld [smem:$0x3FFE];
	[sflag:s23] =	ssyncadd.s32 $0xFFFFFFFF  }
0xa5: {  	s26 =	simm.s32 $execute0_lowered;
	[smem:$0x3FD2] =	sst s25  }
0xa6: {  	s4 =	sshll.u32 s26, $0x1;
	_ =	strace $0x80000046;
	[dreg:$0x1] =	wrdreg $0xFFFFFFFF  }
0xa7: {  	s28 =	simm.s32 $_size_execute0_lowered;
	s2 =	sadd.s32 s2, s4;
	[dreg:$0x0] =	wrdreg $0x0  }
0xa8: {  	s4 =	sshll.u32 s28, $0x1;
	[dreg:$0x2] =	wrdreg s2  }
0xa9: {  	[dreg:$0x3] =	wrdreg s4  }
0xaa: {  	[dreg:$0x4] =	wrdreg $0xC0  }
0xab: {  	_ =	task [dreg:s6], $0x5FFFF  }
0xac: {  	[dreg:$0x1] =	wrdreg $0xFFFFFFFF  }
0xad: {  	[dreg:$0x0] =	wrdreg $0x60  }
0xae: {  	[dreg:$0x2] =	wrdreg s24  }
0xaf: {  	[dreg:$0x3] =	wrdreg $0x9  }
0xb0: {  	_ =	task.clear_ibuf [dreg:s6], $0x4FFFF;
	_ =	strace $0x90000046  }
0xb1: {  	s29 =	simm.s32 $0x9;
	_ =	strace $0x80000048  }
0xb2: {  	_ =	swait.ge [sflag:s29], $0x1  }
0xb3: {  	[sflag:s29] =	ssyncadd.s32 $0xFFFFFFFF  }
0xb4: {  	_ =	strace $0x90000048  }
0xb5: {  	_ =	sfence  }
0xb6: {  	s30 =	sld [smem:$0x0];
	_ =	sdelay $0x2  }
0xb7: {  	s31 =	sshll.u32 s1, $0xD;
	s1 =	sshrl.u32 s1, $0x2  }
0xb8: {  	s3 =	sand.u32 $0x4000, s31;
	s1 =	sadd.s32 s1, s30  }
0xb9: {  	s0 =	sor.u32 s3, s0;
	s1 =	sshll.u32 s1, $0x11  }
0xba: {  	s0 =	sor.u32 s1, s0  }
0xbb: {  	s0 =	sadd.s32 $0x8F2B, s0  }
0xbc: {  	[sflag:s0] =	ssyncadd.remote.s32 $0x1  }
0xbd: {  	_ =	sfence.sel $0xFFFF  }
0xbe: {  	[dreg:$0x0] =	wrdreg $0xFFFFFFFF;
	(pc) =	sbr.abs _section_cstart, $3  }
0xbf: {  	[dreg:$0x1] =	wrdreg $0xFFFFFFFF  }
0xc0: {  	_ =	task.clear_ibuf [dreg:s6], $0x2FFFF;
	_ =	strace $0x9FFFFFFF  }
0xc1: {  	(tm) =	ssettm $0x7FFFFFFF  }
tec
execute0_lowered:
.L_overlay_start_1:
0x0: {  	(tag) =	ssettag $0x1  }
0x1: {  	s0 =	rddreg [dreg:$0x0];
	s1 =	simm.s32 $0x0;
	s2 =	srdreg.scid  }
0x2: {  	s7 =	stileid.u32;
	s14 =	simm.s32 $0x1;
	s15 =	simm.s32 $0x2000  }
0x3: {  	s16 =	simm.s32 $0x4000;
	s17 =	simm.s32 $0x6000;
	s18 =	simm.s32 $0x6200  }
0x4: {  	s19 =	simm.s32 $0x6400;
	s20 =	simm.s32 $0x8800;
	s21 =	simm.s32 $0x8900  }
0x5: {  	s22 =	simm.s32 $0x0;
	[smem:$0x7FF] =	sst s1;
	s3 =	sadd.s32 $0x1A00, s0  }
0x6: {  	s4 =	sadd.s32 $0x1600, s0;
	s5 =	sadd.s32 $0x1200, s0;
	s6 =	sadd.s32 $0x2200, s0  }
0x7: {  	s2 =	sand.u32 $0x1, s2;
	s9 =	sshll.u32 s7, $0x1;
	s7 =	sadd.s32 $0x2000, s0  }
0x8: {  	s8 =	sadd.s32 $0x1E00, s0;
	_ =	strace $0x80000047;
	s10 =	sor.u32 s2, s9  }
0x9: {  	s2 =	ssub.s32 $0x2, s2;
	s9 =	sshll.u32 s10, $0x5;
	s11 =	sshll.u32 s10, $0x1  }
0xa: {  	s31 =	sshrl.u32 s2, $0x1;
	s12 =	sadd.s32 s9, s0;
	s0 =	sadd.s32 s11, s0  }
0xb: {  	s2 =	ssub.s32 s2, s31;
	s9 =	sshll.u32 s10, $0x8;
	s10 =	sshll.u32 s10, $0x4  }
0xc: {  	s11 =	sadd.s32 $0x2400, s12;
	s12 =	sadd.s32 $0x2800, s0;
	s13 =	smax.u32 s2, $0x1  }
.LBB2_1:
0xd: {  	[tilespmem:s1], [sflag:$0x1] =	stream.linear.gather [hbm4b:s3+s1], $0x2000, $0x38;
	[tilespmem:$0x8980] =	vst v63  }
0xe: {  	_ =	swait.ge [sflag:s14], $0x2000  }
0xf: {  	[sflag:s14] =	ssyncset.done $0x0  }
0x10: {  	[sflag:s14] =	ssyncadd.s32 $0xFFFFE000  }
0x11: {  	[tilespmem:s15], [sflag:$0x1] =	stream.linear.gather [hbm4b:s4+s1], $0x2000, $0x38;
	[tilespmem:$0x8980] =	vst v63  }
0x12: {  	_ =	swait.ge [sflag:s14], $0x2000  }
0x13: {  	[sflag:s14] =	ssyncset.done $0x0  }
0x14: {  	[sflag:s14] =	ssyncadd.s32 $0xFFFFE000  }
0x15: {  	[tilespmem:s16], [sflag:$0x1] =	stream.linear.gather [hbm4b:s5+s1], $0x2000, $0x38;
	[tilespmem:$0x8980] =	vst v63  }
0x16: {  	_ =	swait.ge [sflag:s14], $0x2000  }
0x17: {  	[sflag:s14] =	ssyncset.done $0x0  }
0x18: {  	[sflag:s14] =	ssyncadd.s32 $0xFFFFE000  }
0x19: {  	[tilespmem:s17], [sflag:$0x1] =	stream.linear.gather [hbm4b:s6+s1], $0x200, $0x38;
	[tilespmem:$0x8980] =	vst v63  }
0x1a: {  	_ =	swait.ge [sflag:s14], $0x200  }
0x1b: {  	[sflag:s14] =	ssyncset.done $0x0  }
0x1c: {  	[sflag:s14] =	ssyncadd.s32 $0xFFFFFE00  }
0x1d: {  	[tilespmem:s18], [sflag:$0x1] =	stream.linear.gather [hbm4b:s7+s1], $0x200, $0x38;
	[tilespmem:$0x8980] =	vst v63  }
0x1e: {  	_ =	swait.ge [sflag:s14], $0x200  }
0x1f: {  	[sflag:s14] =	ssyncset.done $0x0  }
0x20: {  	[sflag:s14] =	ssyncadd.s32 $0xFFFFFE00  }
0x21: {  	[tilespmem:s19], [sflag:$0x1] =	stream.linear.gather [hbm4b:s8+s1], $0x200, $0x38;
	[tilespmem:$0x8980] =	vst v63  }
0x22: {  	_ =	swait.ge [sflag:s14], $0x200  }
0x23: {  	[sflag:s14] =	ssyncset.done $0x0  }
0x24: {  	s0 =	simm.s32 $0x6220;
	[sflag:s14] =	ssyncadd.s32 $0xFFFFFE00  }
0x25: {  	s2 =	simm.s32 $0x6020;
	v0 =	vld [tilespmem:s0+$0xFFFFFFE0]  }
0x26: {  	v1 =	vld [tilespmem:s2+$0xFFFFFFE0]  }
0x27: {  	s25 =	simm.s32 $0x6420  }
0x28: {  	v2 =	vld [tilespmem:s25+$0xFFFFFFE0];
	_ =	sdelay $0x2  }
0x29: {  	v1 =	vmul.f32 v1, v1;
	v0 =	vmul.f32 v0, v0;
	_ =	sdelay $0x1  }
0x2a: {  	v0 =	vadd.f32 v0, v1;
	v1 =	vmul.f32 v2, v2;
	_ =	sdelay $0x1  }
0x2b: {  	v0 =	vadd.f32 v1, v0;
	_ =	sdelay $0x1  }
0x2c: {  	v0 =	vmul.f32 $5.000000000e-01, v0  }
0x2d: {  	s29 =	simm.s32 $0x8620  }
0x2e: {  	[tilespmem:s29+$0xFFFFFFE0] =	vst v0  }
0x2f: {  	v0 =	vld [tilespmem:s0+$0xFFFFFFF0]  }
0x30: {  	v1 =	vld [tilespmem:s2+$0xFFFFFFF0];
	_ =	sdelay $0x1  }
0x31: {  	v2 =	vld [tilespmem:s25+$0xFFFFFFF0];
	_ =	sdelay $0x2  }
0x32: {  	v1 =	vmul.f32 v1, v1;
	v0 =	vmul.f32 v0, v0;
	_ =	sdelay $0x1  }
0x33: {  	v0 =	vadd.f32 v0, v1;
	v1 =	vmul.f32 v2, v2;
	_ =	sdelay $0x1  }
0x34: {  	v0 =	vadd.f32 v1, v0;
	_ =	sdelay $0x1  }
0x35: {  	v0 =	vmul.f32 $5.000000000e-01, v0;
	_ =	sdelay $0x1  }
0x36: {  	[tilespmem:s29+$0xFFFFFFF0] =	vst v0  }
0x37: {  	v0 =	vld [tilespmem:s2+$0x0]  }
0x38: {  	v1 =	vld [tilespmem:s0+$0x0];
	_ =	sdelay $0x1  }
0x39: {  	v2 =	vld [tilespmem:s25+$0x0];
	_ =	sdelay $0x2  }
0x3a: {  	v0 =	vmul.f32 v0, v0;
	v1 =	vmul.f32 v1, v1;
	_ =	sdelay $0x1  }
0x3b: {  	v0 =	vadd.f32 v1, v0;
	v1 =	vmul.f32 v2, v2;
	_ =	sdelay $0x1  }
0x3c: {  	v0 =	vadd.f32 v1, v0;
	_ =	sdelay $0x1  }
0x3d: {  	v0 =	vmul.f32 $5.000000000e-01, v0;
	_ =	sdelay $0x1  }
0x3e: {  	[tilespmem:s29+$0x0] =	vst v0  }
0x3f: {  	v0 =	vld [tilespmem:s2+$0x10]  }
0x40: {  	v1 =	vld [tilespmem:s0+$0x10];
	_ =	sdelay $0x1  }
0x41: {  	v2 =	vld [tilespmem:s25+$0x10];
	_ =	sdelay $0x2  }
0x42: {  	v3 =	vmul.f32 v0, v0;
	v1 =	vmul.f32 v1, v1  }
0x43: {  	s30 =	simm.s32 $0x0;
	s23 =	simm.s32 $0x4020  }
0x44: {  	s26 =	simm.s32 $0x2020;
	s28 =	simm.s32 $0x20;
	s31 =	simm.s32 $0x6260;
	v0 =	vmul.f32 v2, v2;
	v1 =	vadd.f32 v1, v3  }
0x45: {  	s24 =	simm.s32 $0x6620;
	s2 =	simm.s32 $0x6060;
	s0 =	simm.s32 $0x8620  }
.LBB2_2:
0x46: {  	s30 =	sadd.s32 $0x4, s30;
	v0 =	vadd.f32 v0, v1;
	s29 =	sadd.s32 $0x40, s29;
	s25 =	sadd.s32 $0x40, s25  }
0x47: {  	p0 =	slt.u32 s30, $0x1C  }
0x48: {  	v0 =	vmul.f32 $5.000000000e-01, v0;
	_ =	sdelay $0x1  }
0x49: {  	[tilespmem:s0+$0x10] =	vst v0;
	s0 =	smov.u32 s29  }
0x4a: {  	v0 =	vld [tilespmem:s31+$0xFFFFFFE0]  }
0x4b: {  	v1 =	vld [tilespmem:s2+$0xFFFFFFE0];
	_ =	sdelay $0x1  }
0x4c: {  	v2 =	vld [tilespmem:s25+$0xFFFFFFE0];
	_ =	sdelay $0x2  }
0x4d: {  	v0 =	vmul.f32 v0, v0;
	v1 =	vmul.f32 v1, v1;
	_ =	sdelay $0x1  }
0x4e: {  	v0 =	vadd.f32 v0, v1;
	v1 =	vmul.f32 v2, v2;
	_ =	sdelay $0x1  }
0x4f: {  	v0 =	vadd.f32 v1, v0;
	_ =	sdelay $0x1  }
0x50: {  	v0 =	vmul.f32 $5.000000000e-01, v0;
	_ =	sdelay $0x1  }
0x51: {  	[tilespmem:s29+$0xFFFFFFE0] =	vst v0  }
0x52: {  	v0 =	vld [tilespmem:s31+$0xFFFFFFF0]  }
0x53: {  	v1 =	vld [tilespmem:s2+$0xFFFFFFF0];
	_ =	sdelay $0x1  }
0x54: {  	v2 =	vld [tilespmem:s25+$0xFFFFFFF0];
	_ =	sdelay $0x2  }
0x55: {  	v0 =	vmul.f32 v0, v0;
	v1 =	vmul.f32 v1, v1;
	_ =	sdelay $0x1  }
0x56: {  	v0 =	vadd.f32 v0, v1;
	v1 =	vmul.f32 v2, v2;
	_ =	sdelay $0x1  }
0x57: {  	v0 =	vadd.f32 v1, v0;
	_ =	sdelay $0x1  }
0x58: {  	v0 =	vmul.f32 $5.000000000e-01, v0;
	_ =	sdelay $0x1  }
0x59: {  	[tilespmem:s29+$0xFFFFFFF0] =	vst v0  }
0x5a: {  	v0 =	vld [tilespmem:s2+$0x0]  }
0x5b: {  	v1 =	vld [tilespmem:s31+$0x0];
	_ =	sdelay $0x1  }
0x5c: {  	v2 =	vld [tilespmem:s25+$0x0];
	_ =	sdelay $0x2  }
0x5d: {  	v0 =	vmul.f32 v0, v0;
	v1 =	vmul.f32 v1, v1;
	_ =	sdelay $0x1  }
0x5e: {  	v0 =	vadd.f32 v1, v0;
	v1 =	vmul.f32 v2, v2;
	_ =	sdelay $0x1  }
0x5f: {  	v0 =	vadd.f32 v1, v0;
	_ =	sdelay $0x1  }
0x60: {  	v0 =	vmul.f32 $5.000000000e-01, v0;
	_ =	sdelay $0x1  }
0x61: {  	[tilespmem:s29+$0x0] =	vst v0  }
0x62: {  	v0 =	vld [tilespmem:s2+$0x10]  }
0x63: {  	v1 =	vld [tilespmem:s31+$0x10]  }
0x64: {  	v2 =	vld [tilespmem:s25+$0x10];
	_ =	sdelay $0x2  }
.Ltmp0:
0x65: {  	(pc) =	sbr.rel @p0 .LBB2_2-.Ltmp0, $4  }
0x66: {  	v3 =	vmul.f32 v0, v0;
	v1 =	vmul.f32 v1, v1  }
0x67: {  	v0 =	vmul.f32 v2, v2  }
0x68: {  	v1 =	vadd.f32 v1, v3  }
0x69: {  	s2 =	sadd.s32 $0x40, s2;
	s31 =	sadd.s32 $0x40, s31  }
0x6a: {  	v0 =	vadd.f32 v0, v1;
	_ =	sdelay $0x1  }
0x6b: {  	v0 =	vmul.f32 $5.000000000e-01, v0;
	_ =	sdelay $0x1  }
0x6c: {  	[tilespmem:s0+$0x10] =	vst v0  }
0x6d: {  	v0 =	vld [tilespmem:s26+$0xFFFFFFE0]  }
0x6e: {  	v1 =	vld [tilespmem:s28+$0xFFFFFFE0];
	_ =	sdelay $0x1  }
0x6f: {  	v2 =	vld [tilespmem:s23+$0xFFFFFFE0];
	_ =	sdelay $0x2  }
0x70: {  	v1 =	vmul.f32 v1, v1;
	v0 =	vmul.f32 v0, v0;
	_ =	sdelay $0x1  }
0x71: {  	v0 =	vadd.f32 v0, v1;
	v1 =	vmul.f32 v2, v2;
	_ =	sdelay $0x1  }
0x72: {  	v0 =	vadd.f32 v1, v0;
	_ =	sdelay $0x1  }
0x73: {  	v0 =	vmul.f32 $5.000000000e-01, v0;
	_ =	sdelay $0x1  }
0x74: {  	[tilespmem:s24+$0xFFFFFFE0] =	vst v0  }
0x75: {  	v0 =	vld [tilespmem:s26+$0xFFFFFFF0]  }
0x76: {  	v1 =	vld [tilespmem:s28+$0xFFFFFFF0];
	_ =	sdelay $0x1  }
0x77: {  	v2 =	vld [tilespmem:s23+$0xFFFFFFF0];
	_ =	sdelay $0x2  }
0x78: {  	v1 =	vmul.f32 v1, v1;
	v0 =	vmul.f32 v0, v0;
	_ =	sdelay $0x1  }
0x79: {  	v0 =	vadd.f32 v0, v1;
	v1 =	vmul.f32 v2, v2;
	_ =	sdelay $0x1  }
0x7a: {  	v0 =	vadd.f32 v1, v0;
	_ =	sdelay $0x1  }
0x7b: {  	v0 =	vmul.f32 $5.000000000e-01, v0;
	_ =	sdelay $0x1  }
0x7c: {  	[tilespmem:s24+$0xFFFFFFF0] =	vst v0  }
0x7d: {  	v0 =	vld [tilespmem:s28+$0x0]  }
0x7e: {  	v1 =	vld [tilespmem:s26+$0x0];
	_ =	sdelay $0x1  }
0x7f: {  	v2 =	vld [tilespmem:s23+$0x0];
	_ =	sdelay $0x2  }
0x80: {  	v0 =	vmul.f32 v0, v0;
	v1 =	vmul.f32 v1, v1;
	_ =	sdelay $0x1  }
0x81: {  	v0 =	vadd.f32 v1, v0;
	v1 =	vmul.f32 v2, v2;
	_ =	sdelay $0x1  }
0x82: {  	v0 =	vadd.f32 v1, v0;
	_ =	sdelay $0x1  }
0x83: {  	v0 =	vmul.f32 $5.000000000e-01, v0;
	_ =	sdelay $0x1  }
0x84: {  	[tilespmem:s24+$0x0] =	vst v0  }
0x85: {  	v0 =	vld [tilespmem:s28+$0x10]  }
0x86: {  	v1 =	vld [tilespmem:s26+$0x10];
	_ =	sdelay $0x1  }
0x87: {  	v2 =	vld [tilespmem:s23+$0x10];
	_ =	sdelay $0x2  }
0x88: {  	v3 =	vmul.f32 v0, v0;
	v1 =	vmul.f32 v1, v1;
	_ =	sdelay $0x1  }
0x89: {  	s25 =	simm.s32 $0x0;
	p1 =	por $0x1, $0x1;
	v0 =	vmul.f32 v2, v2;
	v1 =	vadd.f32 v1, v3  }
0x8a: {  	s0 =	simm.s32 $0x60;
	s28 =	simm.s32 $0x2060;
	s26 =	simm.s32 $0x6620  }
.LBB2_4:
0x8b: {  	s25 =	sadd.s32 $0x4, s25;
	v0 =	vadd.f32 v0, v1;
	s24 =	sadd.s32 $0x40, s24;
	s23 =	sadd.s32 $0x40, s23  }
0x8c: {  	p0 =	slt.u32 s25, $0x1FC  }
0x8d: {  	v0 =	vmul.f32 $5.000000000e-01, v0;
	_ =	sdelay $0x1  }
0x8e: {  	[tilespmem:s26+$0x10] =	vst v0;
	s26 =	smov.u32 s24  }
0x8f: {  	v0 =	vld [tilespmem:s28+$0xFFFFFFE0]  }
0x90: {  	v1 =	vld [tilespmem:s0+$0xFFFFFFE0];
	_ =	sdelay $0x1  }
0x91: {  	v2 =	vld [tilespmem:s23+$0xFFFFFFE0];
	_ =	sdelay $0x2  }
0x92: {  	v0 =	vmul.f32 v0, v0;
	v1 =	vmul.f32 v1, v1;
	_ =	sdelay $0x1  }
0x93: {  	v0 =	vadd.f32 v0, v1;
	v1 =	vmul.f32 v2, v2;
	_ =	sdelay $0x1  }
0x94: {  	v0 =	vadd.f32 v1, v0;
	_ =	sdelay $0x1  }
0x95: {  	v0 =	vmul.f32 $5.000000000e-01, v0;
	_ =	sdelay $0x1  }
0x96: {  	[tilespmem:s24+$0xFFFFFFE0] =	vst v0  }
0x97: {  	v0 =	vld [tilespmem:s28+$0xFFFFFFF0]  }
0x98: {  	v1 =	vld [tilespmem:s0+$0xFFFFFFF0];
	_ =	sdelay $0x1  }
0x99: {  	v2 =	vld [tilespmem:s23+$0xFFFFFFF0];
	_ =	sdelay $0x2  }
0x9a: {  	v0 =	vmul.f32 v0, v0;
	v1 =	vmul.f32 v1, v1;
	_ =	sdelay $0x1  }
0x9b: {  	v0 =	vadd.f32 v0, v1;
	v1 =	vmul.f32 v2, v2;
	_ =	sdelay $0x1  }
0x9c: {  	v0 =	vadd.f32 v1, v0;
	_ =	sdelay $0x1  }
0x9d: {  	v0 =	vmul.f32 $5.000000000e-01, v0;
	_ =	sdelay $0x1  }
0x9e: {  	[tilespmem:s24+$0xFFFFFFF0] =	vst v0  }
0x9f: {  	v0 =	vld [tilespmem:s0+$0x0]  }
0xa0: {  	v1 =	vld [tilespmem:s28+$0x0];
	_ =	sdelay $0x1  }
0xa1: {  	v2 =	vld [tilespmem:s23+$0x0];
	_ =	sdelay $0x2  }
0xa2: {  	v0 =	vmul.f32 v0, v0;
	v1 =	vmul.f32 v1, v1;
	_ =	sdelay $0x1  }
0xa3: {  	v0 =	vadd.f32 v1, v0;
	v1 =	vmul.f32 v2, v2;
	_ =	sdelay $0x1  }
0xa4: {  	v0 =	vadd.f32 v1, v0;
	_ =	sdelay $0x1  }
0xa5: {  	v0 =	vmul.f32 $5.000000000e-01, v0;
	_ =	sdelay $0x1  }
0xa6: {  	[tilespmem:s24+$0x0] =	vst v0  }
0xa7: {  	v0 =	vld [tilespmem:s0+$0x10]  }
0xa8: {  	v1 =	vld [tilespmem:s28+$0x10]  }
0xa9: {  	v2 =	vld [tilespmem:s23+$0x10];
	_ =	sdelay $0x2  }
.Ltmp1:
0xaa: {  	(pc) =	sbr.rel @p0 .LBB2_4-.Ltmp1, $4  }
0xab: {  	v3 =	vmul.f32 v0, v0;
	v1 =	vmul.f32 v1, v1  }
0xac: {  	v0 =	vmul.f32 v2, v2  }
0xad: {  	v1 =	vadd.f32 v1, v3  }
0xae: {  	s2 =	simm.s32 $0x0;
	s0 =	sadd.s32 $0x40, s0;
	s28 =	sadd.s32 $0x40, s28  }
0xaf: {  	v0 =	vadd.f32 v0, v1;
	_ =	sdelay $0x1  }
0xb0: {  	v0 =	vmul.f32 $5.000000000e-01, v0;
	_ =	sdelay $0x1  }
0xb1: {  	[tilespmem:s26+$0x10] =	vst v0  }
.LBB2_6:
0xb2: {  	s23 =	sshll.u32 s2, $0x7  }
0xb3: {  	s0 =	sor.u32 s9, s23  }
0xb4: {  	v0 =	vld [tilespmem:s0+$0x4000]  }
0xb5: {  	v53 =	vld [tilespmem:s0+$0x4010]  }
0xb6: {  	v55 =	vld [tilespmem:s0+$0x2030]  }
0xb7: {  	v56 =	vld [tilespmem:s0+$0x2040]  }
0xb8: {  	v57 =	vld [tilespmem:s0+$0x4040]  }
0xb9: {  	v58 =	vld [tilespmem:s0+$0x4050];
	[tilespmem:$0x1FE90] =	vst v0  }
0xba: {  	v61 =	vld [tilespmem:s0+$0x2060];
	[tilespmem:$0x1FEA0] =	vst v53  }
0xbb: {  	v12 =	vld [tilespmem:s0+$0x2010];
	[tilespmem:$0x1FEC0] =	vst v55  }
0xbc: {  	v59 =	vld [tilespmem:s0+$0x0];
	[tilespmem:$0x1FED0] =	vst v56  }
0xbd: {  	v60 =	vld [tilespmem:s0+$0x2000];
	[tilespmem:$0x1FEE0] =	vst v57  }
0xbe: {  	v22 =	vld [tilespmem:s0+$0x4060];
	[tilespmem:$0x1FEF0] =	vst v58  }
0xbf: {  	v25 =	vld [tilespmem:s0+$0x4070];
	[tilespmem:$0x1FF00] =	vst v61  }
0xc0: {  	v28 =	vld [tilespmem:s0+$0x2070];
	[tilespmem:$0x1FF20] =	vst v12  }
0xc1: {  	v27 =	vld [tilespmem:s0+$0x2050];
	[tilespmem:$0x1FF30] =	vst v59  }
0xc2: {  	v32 =	vld [tilespmem:s0+$0x4020];
	[tilespmem:$0x1FF40] =	vst v60  }
0xc3: {  	v33 =	vld [tilespmem:s0+$0x4030];
	[tilespmem:$0x1FF60] =	vst v22  }
0xc4: {  	v24 =	vld [tilespmem:s0+$0x2020];
	s26 =	sor.u32 $0x30, s0;
	[tilespmem:$0x1FF70] =	vst v25  }
0xc5: {  	s31 =	sor.u32 $0x70, s0;
	v54 =	vld [tilespmem:s26+$0x0];
	[tilespmem:$0x1FF80] =	vst v28  }
0xc6: {  	s24 =	sor.u32 $0x10, s0;
	v63 =	vld [tilespmem:s31+$0x0];
	[tilespmem:$0x1FFB0] =	vst v27  }
0xc7: {  	s28 =	sor.u32 $0x40, s0;
	v62 =	vld [tilespmem:s24+$0x0];
	[tilespmem:$0x1FFC0] =	vst v32  }
0xc8: {  	s29 =	sor.u32 $0x50, s0;
	v29 =	vld [tilespmem:s28+$0x0];
	[tilespmem:$0x1FFD0] =	vst v33  }
0xc9: {  	s25 =	sor.u32 $0x20, s0;
	v18 =	vld [tilespmem:s29+$0x0];
	[tilespmem:$0x1FFF0] =	vst v24  }
0xca: {  	v23 =	vld [tilespmem:s25+$0x0];
	[tilespmem:$0x1FEB0] =	vst v54  }
0xcb: {  	[tilespmem:$0x1FF10] =	vst v63  }
0xcc: {  	[tilespmem:$0x1FF50] =	vst v62  }
0xcd: {  	v14 =	vimm.f32 $-Inf;
	v13 =	vimm.f32 $-Inf;
	[tilespmem:$0x1FF90] =	vst v29  }
0xce: {  	v11 =	vimm.f32 $-Inf;
	v10 =	vimm.f32 $-Inf;
	v8 =	vimm.f32 $-Inf;
	s30 =	sor.u32 $0x60, s0;
	[tilespmem:$0x1FFA0] =	vst v18  }
0xcf: {  	p0 =	por p1, p1;
	v9 =	vimm.f32 $-Inf;
	v5 =	vimm.f32 $-Inf;
	v4 =	vimm.f32 $-Inf;
	v31 =	vld [tilespmem:s30+$0x0];
	s24 =	simm.s32 $0x0;
	[tilespmem:$0x1FFE0] =	vst v23  }
.LBB2_7:
0xd0: {  	s0 =	sshll.u32 s24, $0x4  }
0xd1: {  	s2 =	simm.s32 $0x2;
	v61 =	vld [tilespmem:s0+$0x6000]  }
0xd2: {  	s25 =	simm.s32 $0x1;
	v53 =	vld [tilespmem:s0+$0x6200];
	v0 =	vmov s2  }
0xd3: {  	s30 =	simm.s32 $0x3;
	v54 =	vld [tilespmem:s0+$0x6400];
	v1 =	vmov s25;
	v0 =	vand.u32 $0xF, v0  }
0xd4: {  	v38 =	vmov s30;
	v1 =	vand.u32 $0xF, v1;
	v2 =	vbroadcast v0, $0x0  }
0xd5: {  	[tilespmem:$0x1FD70] =	vst v11;
	v38 =	vand.u32 $0xF, v38;
	v0 =	vbroadcast v1, $0x0  }
0xd6: {  	[tilespmem:$0x1FDC0] =	vst v5;
	v38 =	vbroadcast v38, $0x0;
	v3 =	vperm.xlane v61, v2  }
0xd7: {  	[tilespmem:$0x1FDE0] =	vst v4;
	v55 =	vld [tilespmem:$0x1FF10];
	v4 =	vperm.xlane v53, v2;
	v5 =	vperm.xlane v61, v0  }
0xd8: {  	[tilespmem:$0x1FD80] =	vst v9;
	v6 =	vperm.xlane v54, v2;
	v1 =	vperm.xlane v54, v0  }
0xd9: {  	[tilespmem:$0x1FDD0] =	vst v8;
	v21 =	vld [tilespmem:$0x1FE90];
	v8 =	vperm.xlane v53, v0;
	v7 =	vmul.f32 v4, v24  }
0xda: {  	[tilespmem:$0x1FDB0] =	vst v10;
	v20 =	vld [tilespmem:$0x1FED0];
	v9 =	vmul.f32 v5, v62;
	v10 =	vmul.f32 v5, v31  }
0xdb: {  	[tilespmem:$0x1FD90] =	vst v14;
	v26 =	vld [tilespmem:$0x1FEB0];
	v11 =	vmul.f32 v5, v23;
	v51 =	vmul.f32 v8, v12  }
0xdc: {  	[tilespmem:$0x1FDA0] =	vst v13;
	v52 =	vld [tilespmem:$0x1FEC0];
	v13 =	vmul.f32 v5, v55;
	v14 =	vmul.f32 v5, v59  }
0xdd: {  	v15 =	vmul.f32 v8, v27;
	v16 =	vmul.f32 v8, v60  }
0xde: {  	v35 =	vmul.f32 v1, v21;
	v36 =	vmul.f32 v5, v29  }
0xdf: {  	v37 =	vmul.f32 v8, v20;
	v39 =	vmul.f32 v1, v32  }
0xe0: {  	v17 =	vld [tilespmem:$0x1FF00];
	v40 =	vmul.f32 v8, v24;
	v41 =	vmul.f32 v5, v26  }
0xe1: {  	v42 =	vmul.f32 v8, v52;
	v43 =	vmul.f32 v3, v23  }
0xe2: {  	v57 =	vmul.f32 v3, v62;
	v44 =	vmul.f32 v4, v12  }
0xe3: {  	v63 =	vmul.f32 v6, v32;
	v45 =	vmul.f32 v3, v55  }
0xe4: {  	v19 =	vld [tilespmem:$0x1FEE0];
	v46 =	vmul.f32 v3, v59;
	v50 =	vmul.f32 v4, v28  }
0xe5: {  	v56 =	vmul.f32 v4, v60;
	v47 =	vmul.f32 v4, v17  }
0xe6: {  	v49 =	vmul.f32 v3, v26;
	v5 =	vmul.f32 v5, v18  }
0xe7: {  	v14 =	vadd.f32 v16, v14;
	v16 =	vmul.f32 v8, v17;
	v7 =	vadd.f32 v7, v43  }
0xe8: {  	v48 =	vadd.f32 v44, v57;
	v57 =	vmul.f32 v3, v29;
	v30 =	vadd.f32 v50, v45  }
0xe9: {  	v45 =	vadd.f32 v56, v46;
	v56 =	vmul.f32 v6, v19;
	v50 =	vmul.f32 v4, v52  }
0xea: {  	v8 =	vmul.f32 v8, v28;
	v9 =	vadd.f32 v51, v9;
	v46 =	vadd.f32 v37, v36  }
0xeb: {  	v44 =	vperm.xlane v54, v38;
	v58 =	vadd.f32 v35, v14;
	v7 =	vadd.f32 v63, v7  }
0xec: {  	v63 =	vmul.f32 v4, v20;
	v4 =	vmul.f32 v4, v27;
	v10 =	vadd.f32 v16, v10  }
0xed: {  	v49 =	vadd.f32 v50, v49;
	[tilespmem:$0x1FE70] =	vst v7;
	v7 =	vmul.f32 v3, v31;
	v3 =	vmul.f32 v3, v18  }
0xee: {  	v34 =	vmul.f32 v44, v22;
	v35 =	vadd.f32 v63, v57;
	[tilespmem:$0x1FE40] =	vst v10;
	v10 =	vmul.f32 v6, v22  }
0xef: {  	v3 =	vadd.f32 v4, v3;
	v4 =	vadd.f32 v40, v11;
	v11 =	vperm.xlane v61, v38  }
0xf0: {  	v63 =	vadd.f32 v42, v41;
	v41 =	vmul.f32 v44, v25;
	v40 =	vperm.xlane v53, v38  }
0xf1: {  	[tilespmem:$0x1FE80] =	vst v9;
	v14 =	vadd.f32 v56, v35;
	v56 =	vmul.f32 v44, v33;
	v9 =	vmul.f32 v11, v59  }
0xf2: {  	v7 =	vadd.f32 v47, v7;
	v16 =	vmul.f32 v11, v62;
	v37 =	vmul.f32 v11, v23  }
0xf3: {  	v50 =	vmul.f32 v11, v29;
	v47 =	vadd.f32 v39, v4;
	v4 =	vmul.f32 v44, v21  }
0xf4: {  	v8 =	vadd.f32 v8, v13;
	v13 =	vmul.f32 v40, v60;
	v39 =	vmul.f32 v40, v52  }
0xf5: {  	v5 =	vadd.f32 v15, v5;
	v35 =	vmul.f32 v11, v55;
	v15 =	vmul.f32 v11, v31  }
0xf6: {  	[tilespmem:$0x1FE50] =	vst v8;
	v8 =	vld [tilespmem:$0x1FEF0];
	v57 =	vmul.f32 v40, v28;
	v55 =	vmul.f32 v40, v24;
	v9 =	vadd.f32 v13, v9  }
0xf7: {  	[tilespmem:$0x1FE30] =	vst v14;
	v14 =	vld [tilespmem:$0x1FEA0];
	v42 =	vmul.f32 v40, v12;
	v7 =	vadd.f32 v10, v7;
	v13 =	vmul.f32 v40, v17  }
0xf8: {  	v37 =	vadd.f32 v55, v37;
	v55 =	vmul.f32 v6, v25;
	v4 =	vadd.f32 v4, v9  }
0xf9: {  	v9 =	vmul.f32 v11, v26;
	v11 =	vmul.f32 v11, v18;
	v13 =	vadd.f32 v13, v15  }
0xfa: {  	v15 =	vadd.f32 v57, v35;
	v26 =	vld [tilespmem:s0+$0x8600];
	v57 =	vmul.f32 v40, v20;
	v40 =	vmul.f32 v40, v27  }
0xfb: {  	v35 =	vmul.f32 v6, v33;
	v20 =	vmul.f32 v6, v8;
	v17 =	vadd.f32 v55, v30  }
0xfc: {  	v36 =	vmul.f32 v44, v14;
	v9 =	vadd.f32 v39, v9;
	v15 =	vadd.f32 v41, v15  }
0xfd: {  	v41 =	vmul.f32 v44, v8;
	v13 =	vadd.f32 v34, v13;
	v34 =	vmul.f32 v1, v14  }
0xfe: {  	s31 =	simm.s32 $0x0;
	v9 =	vadd.f32 v56, v9;
	v56 =	vmul.f32 v6, v14;
	v6 =	vmul.f32 v6, v21  }
0xff: {  	v21 =	vadd.f32 v20, v3;
	v3 =	vmov s31;
	v39 =	vperm.xlane v26, v38  }
0x100: {  	[tilespmem:$0x1FE60] =	vst v5;
	v14 =	vmul.f32 v1, v8;
	v5 =	vperm.xlane v26, v2;
	v3 =	vand.u32 $0xF, v3  }
0x101: {  	v6 =	vadd.f32 v6, v45;
	v38 =	vsub.f32 v13, v39;
	v13 =	vbroadcast v3, $0x0  }
0x102: {  	v2 =	vadd.f32 v40, v11;
	v55 =	vperm.xlane v26, v0;
	v8 =	vadd.f32 v56, v48  }
0x103: {  	[tilespmem:$0x1FDF0] =	vst v61;
	v48 =	vsub.f32 v6, v5;
	v6 =	vld [tilespmem:$0x1FE40];
	v0 =	vperm.xlane v61, v13;
	v61 =	vperm.xlane v53, v13  }
0x104: {  	v51 =	vmul.f32 v44, v32;
	v10 =	vadd.f32 v57, v50;
	v2 =	vadd.f32 v41, v2  }
0x105: {  	v41 =	vsub.f32 v4, v39;
	v4 =	vmul.f32 v0, v62;
	v12 =	vmul.f32 v61, v12  }
0x106: {  	v57 =	vadd.f32 v51, v37;
	v11 =	vmul.f32 v1, v33;
	v45 =	vmul.f32 v1, v22  }
0x107: {  	v37 =	vsub.f32 v58, v55;
	v58 =	vadd.f32 v12, v4  }
0x108: {  	v4 =	vadd.f32 v11, v63;
	v11 =	vadd.f32 v45, v6;
	v6 =	vld [tilespmem:$0x1FE50]  }
0x109: {  	v50 =	vmul.f32 v44, v19  }
0x10a: {  	v44 =	vadd.f32 v42, v16;
	v16 =	vmul.f32 v1, v25;
	v40 =	vsub.f32 v7, v5  }
0x10b: {  	v51 =	vsub.f32 v9, v39;
	v7 =	vmul.f32 v0, v59;
	v9 =	vmul.f32 v61, v60;
	_ =	sdelay $0x1  }
0x10c: {  	v62 =	vadd.f32 v9, v7;
	v9 =	vadd.f32 v16, v6;
	v6 =	vld [tilespmem:$0x1FE60];
	_ =	sdelay $0x3  }
0x10d: {  	v35 =	vadd.f32 v35, v49  }
0x10e: {  	v49 =	vsub.f32 v17, v5;
	v17 =	vadd.f32 v14, v6;
	v14 =	vld [tilespmem:$0x1FE70];
	_ =	sdelay $0x1  }
0x10f: {  	v10 =	vadd.f32 v50, v10;
	v43 =	vsub.f32 v15, v39  }
0x110: {  	v3 =	vmul.f32 v1, v19;
	v42 =	vsub.f32 v57, v39;
	v57 =	vperm.xlane v54, v13  }
0x111: {  	v50 =	vperm.xlane v26, v13;
	v30 =	vsub.f32 v2, v39;
	v2 =	vld [tilespmem:$0x1FE30];
	v1 =	vmul.f32 v61, v28  }
0x112: {  	[tilespmem:$0x1FE00] =	vst v53;
	v59 =	vmul.f32 v57, v22;
	v60 =	vmul.f32 v57, v25;
	v53 =	vsub.f32 v14, v5;
	v14 =	vld [tilespmem:$0x1FE80]  }
0x113: {  	v56 =	vsub.f32 v10, v39;
	v10 =	vmul.f32 v61, v24;
	v13 =	vmul.f32 v0, v23  }
0x114: {  	[tilespmem:$0x1FE10] =	vst v54;
	v54 =	vsub.f32 v8, v5;
	v15 =	vmul.f32 v61, v27;
	v8 =	vmul.f32 v57, v33  }
0x115: {  	v52 =	vsub.f32 v21, v5;
	v7 =	vmul.f32 v57, v32;
	v12 =	vmul.f32 v0, v18  }
0x116: {  	v63 =	vsub.f32 v35, v5;
	v2 =	vsub.f32 v2, v5;
	v6 =	vmul.f32 v0, v31  }
0x117: {  	s25 =	simm.s32 $0x4;
	[tilespmem:$0x1FE20] =	vst v26;
	v5 =	vsub.f32 v17, v55;
	v16 =	vadd.f32 v34, v14;
	v14 =	vmul.f32 v0, v29  }
.LBB2_8:
0x118: {  	v21 =	vld [tilespmem:$0x1FED0];
	_ =	sdelay $0x1  }
0x119: {  	v24 =	vld [tilespmem:$0x1FEE0]  }
0x11a: {  	v35 =	vld [tilespmem:$0x1FEB0]  }
0x11b: {  	v20 =	vld [tilespmem:$0x1FF10]  }
0x11c: {  	v45 =	vmul.f32 v61, v21;
	_ =	sdelay $0x1  }
0x11d: {  	v10 =	vadd.f32 v10, v13;
	v13 =	vmul.f32 v57, v24;
	v14 =	vadd.f32 v45, v14  }
0x11e: {  	v12 =	vadd.f32 v15, v12  }
0x11f: {  	v15 =	vmul.f32 v0, v35;
	v0 =	vmul.f32 v0, v20;
	v13 =	vadd.f32 v13, v14;
	_ =	sdelay $0x1  }
0x120: {  	v0 =	vadd.f32 v1, v0;
	v1 =	vsub.f32 v13, v50;
	v13 =	vld [tilespmem:$0x1FD80]  }
0x121: {  	v7 =	vadd.f32 v7, v10;
	_ =	sdelay $0x1  }
0x122: {  	v23 =	vld [tilespmem:$0x1FEF0];
	v7 =	vsub.f32 v7, v50  }
0x123: {  	v22 =	vld [tilespmem:$0x1FEC0]  }
0x124: {  	v7 =	vmax.f32 v13, v7;
	v13 =	vld [tilespmem:$0x1FDB0]  }
0x125: {  	v19 =	vld [tilespmem:$0x1FF00]  }
0x126: {  	v3 =	vadd.f32 v3, v46  }
0x127: {  	v10 =	vmul.f32 v57, v23  }
0x128: {  	v25 =	vld [tilespmem:$0x1FEA0];
	v3 =	vsub.f32 v3, v55;
	v17 =	vmul.f32 v61, v22  }
0x129: {  	v9 =	vsub.f32 v9, v55;
	v10 =	vadd.f32 v10, v12;
	v1 =	vmax.f32 v13, v1;
	v13 =	vld [tilespmem:$0x1FD70]  }
0x12a: {  	v12 =	vadd.f32 v17, v15;
	v14 =	vmul.f32 v61, v19;
	v61 =	vld [tilespmem:$0x1FE90];
	v1 =	vmax.f32 v1, v3  }
0x12b: {  	s26 =	smov.u32 s25;
	v4 =	vsub.f32 v4, v55;
	v16 =	vsub.f32 v16, v55;
	v1 =	vmax.f32 v1, v2;
	v2 =	vld [tilespmem:$0x1FDD0]  }
0x12c: {  	s0 =	sadd.s32 $0x3, s26;
	v8 =	vadd.f32 v8, v12;
	v10 =	vsub.f32 v10, v50  }
0x12d: {  	v11 =	vsub.f32 v11, v55;
	v46 =	vmov s0;
	v47 =	vsub.f32 v47, v55  }
0x12e: {  	v15 =	vmul.f32 v57, v25;
	v8 =	vsub.f32 v8, v50;
	v10 =	vmax.f32 v13, v10  }
0x12f: {  	v6 =	vadd.f32 v14, v6;
	v12 =	vmul.f32 v57, v61;
	v5 =	vmax.f32 v10, v5;
	v10 =	vld [tilespmem:$0x1FDE0]  }
0x130: {  	v45 =	vand.u32 $0xF, v46;
	v0 =	vadd.f32 v60, v0;
	v2 =	vmax.f32 v2, v8;
	v8 =	vld [tilespmem:$0x1FDA0]  }
0x131: {  	v6 =	vadd.f32 v59, v6;
	v3 =	vadd.f32 v12, v62;
	v2 =	vmax.f32 v2, v4  }
0x132: {  	v60 =	vld [tilespmem:$0x1FE10];
	v0 =	vsub.f32 v0, v50;
	v1 =	vmax.f32 v1, v56;
	v2 =	vmax.f32 v2, v63  }
0x133: {  	s31 =	sadd.s32 $0x2, s26;
	v57 =	vld [tilespmem:$0x1FDF0];
	v3 =	vsub.f32 v3, v50;
	[tilespmem:$0x1FDB0] =	vst v1;
	v1 =	vsub.f32 v6, v50;
	v2 =	vmax.f32 v2, v51  }
0x134: {  	v6 =	vadd.f32 v36, v44;
	v13 =	vld [tilespmem:$0x1FDC0];
	v4 =	vadd.f32 v15, v58;
	[tilespmem:$0x1FDD0] =	vst v2;
	v2 =	vmov s31  }
0x135: {  	v3 =	vmax.f32 v10, v3;
	v1 =	vmax.f32 v8, v1;
	v8 =	vld [tilespmem:$0x1FD90];
	v2 =	vand.u32 $0xF, v2  }
0x136: {  	v55 =	vbroadcast v2, $0x0;
	v2 =	vsub.f32 v4, v50;
	v4 =	vmax.f32 v7, v47  }
0x137: {  	v3 =	vmax.f32 v3, v37;
	v1 =	vmax.f32 v1, v11;
	v4 =	vmax.f32 v4, v53  }
0x138: {  	v59 =	vld [tilespmem:$0x1FE00];
	v1 =	vmax.f32 v1, v40;
	v7 =	vperm.xlane v57, v55;
	v56 =	vperm.xlane v60, v55  }
0x139: {  	v29 =	vld [tilespmem:$0x1FF50];
	s2 =	sadd.s32 $0x1, s26;
	v2 =	vmax.f32 v13, v2;
	v1 =	vmax.f32 v1, v38;
	v38 =	vbroadcast v45, $0x0  }
0x13a: {  	v17 =	vld [tilespmem:$0x1FFF0];
	v2 =	vmax.f32 v2, v16;
	v0 =	vmax.f32 v8, v0;
	v8 =	vmov s2  }
0x13b: {  	v58 =	vld [tilespmem:$0x1FF20];
	v53 =	vmul.f32 v56, v24;
	v37 =	vperm.xlane v60, v38;
	v8 =	vand.u32 $0xF, v8  }
0x13c: {  	v28 =	vld [tilespmem:$0x1FF40];
	v2 =	vmax.f32 v2, v54;
	v54 =	vmul.f32 v7, v35;
	v50 =	vbroadcast v8, $0x0  }
0x13d: {  	v0 =	vmax.f32 v0, v9;
	v8 =	vperm.xlane v59, v55;
	v46 =	vmul.f32 v37, v25  }
0x13e: {  	v33 =	vmovc v43;
	v62 =	vld [tilespmem:$0x1FF30];
	v0 =	vmax.f32 v0, v49;
	v9 =	vperm.xlane v57, v50;
	v51 =	vperm.xlane v60, v50  }
0x13f: {  	v18 =	vld [tilespmem:$0x1FFE0];
	v0 =	vmax.f32 v0, v33;
	v10 =	vmul.f32 v8, v17;
	v11 =	vperm.xlane v59, v50  }
0x140: {  	v3 =	vmax.f32 v3, v48;
	[tilespmem:$0x1FD90] =	vst v0;
	v0 =	vmul.f32 v7, v29;
	v48 =	vmul.f32 v8, v58  }
0x141: {  	v34 =	vld [tilespmem:$0x1FFB0];
	v5 =	vmax.f32 v5, v52;
	v49 =	vmul.f32 v8, v28;
	v52 =	vmul.f32 v8, v19  }
0x142: {  	v32 =	vld [tilespmem:$0x1FF90];
	v6 =	vsub.f32 v6, v39;
	v63 =	vmul.f32 v8, v22;
	v12 =	vmul.f32 v9, v29  }
0x143: {  	v3 =	vmax.f32 v3, v41;
	v16 =	vmul.f32 v9, v62;
	v26 =	vmul.f32 v11, v28  }
0x144: {  	v43 =	vmovc v31;
	v4 =	vmax.f32 v4, v42;
	v13 =	vmul.f32 v9, v31;
	v14 =	vmul.f32 v9, v18;
	v31 =	vld [tilespmem:$0x1FFC0]  }
0x145: {  	[tilespmem:$0x1FD80] =	vst v4;
	v4 =	vmul.f32 v11, v58;
	v27 =	vmul.f32 v51, v61;
	v16 =	vadd.f32 v26, v16  }
0x146: {  	v5 =	vmax.f32 v5, v30;
	[tilespmem:$0x1FDE0] =	vst v3;
	v15 =	vmul.f32 v9, v20;
	v47 =	vmul.f32 v11, v34  }
0x147: {  	[tilespmem:$0x1FDA0] =	vst v1;
	v3 =	vmul.f32 v9, v32;
	v1 =	vadd.f32 v27, v16;
	v16 =	vmul.f32 v7, v18;
	v27 =	vld [tilespmem:$0x1FF80]  }
0x148: {  	v2 =	vmax.f32 v2, v6;
	v36 =	vmul.f32 v11, v21;
	v40 =	vmul.f32 v11, v17  }
0x149: {  	[tilespmem:$0x1FDC0] =	vst v2;
	v41 =	vmul.f32 v11, v19;
	v6 =	vmul.f32 v56, v31;
	v2 =	vadd.f32 v10, v16  }
0x14a: {  	[tilespmem:$0x1FD70] =	vst v5;
	v33 =	vld [tilespmem:$0x1FFA0];
	v5 =	vmul.f32 v11, v22;
	v0 =	vadd.f32 v48, v0;
	v39 =	vmul.f32 v51, v31  }
0x14b: {  	[tilespmem:$0x1FD20] =	vst v1;
	v1 =	vmul.f32 v9, v35;
	v10 =	vmul.f32 v7, v20;
	v2 =	vadd.f32 v6, v2  }
0x14c: {  	[tilespmem:$0x1FD30] =	vst v0;
	v16 =	vmul.f32 v7, v62;
	v0 =	vmul.f32 v8, v27  }
0x14d: {  	v30 =	vld [tilespmem:$0x1FF60];
	v4 =	vadd.f32 v4, v12;
	v6 =	vmul.f32 v7, v32;
	[tilespmem:$0x1FD40] =	vst v2;
	v2 =	vmul.f32 v7, v43  }
0x14e: {  	v0 =	vadd.f32 v0, v10;
	v10 =	vadd.f32 v49, v16;
	v16 =	vmul.f32 v8, v21  }
0x14f: {  	v45 =	vadd.f32 v36, v3;
	v9 =	vmul.f32 v9, v33;
	v11 =	vmul.f32 v11, v27  }
0x150: {  	v7 =	vmul.f32 v7, v33;
	v2 =	vadd.f32 v52, v2;
	v6 =	vadd.f32 v16, v6  }
0x151: {  	v8 =	vmul.f32 v8, v34;
	v16 =	vadd.f32 v63, v54;
	v63 =	vadd.f32 v41, v13  }
0x152: {  	v13 =	vmul.f32 v56, v30;
	v41 =	vmul.f32 v37, v23;
	v54 =	vadd.f32 v53, v6  }
0x153: {  	v6 =	vadd.f32 v8, v7;
	v7 =	vadd.f32 v40, v14;
	v8 =	vperm.xlane v57, v38  }
0x154: {  	v36 =	vld [tilespmem:$0x1FF70];
	v14 =	vperm.xlane v59, v38;
	v53 =	vadd.f32 v11, v15;
	v15 =	vmul.f32 v37, v31  }
0x155: {  	[tilespmem:$0x1FD50] =	vst v4;
	v2 =	vadd.f32 v13, v2;
	v13 =	vmul.f32 v37, v24;
	v4 =	vmul.f32 v8, v62  }
0x156: {  	v52 =	vadd.f32 v47, v9;
	v47 =	vld [tilespmem:$0x1FFD0];
	v12 =	vmul.f32 v8, v29;
	v3 =	vmul.f32 v8, v18  }
0x157: {  	v40 =	vmul.f32 v8, v32;
	v11 =	vmul.f32 v14, v28  }
0x158: {  	v5 =	vadd.f32 v5, v1;
	v1 =	vmul.f32 v14, v22;
	v20 =	vmul.f32 v8, v20  }
0x159: {  	v7 =	vadd.f32 v39, v7;
	v22 =	vmul.f32 v37, v36;
	v9 =	vmul.f32 v8, v43  }
0x15a: {  	v26 =	vmul.f32 v14, v27;
	v42 =	vmul.f32 v14, v58  }
0x15b: {  	v48 =	vmul.f32 v37, v47;
	[tilespmem:$0x1FD60] =	vst v7;
	v7 =	vmul.f32 v37, v61;
	v4 =	vadd.f32 v11, v4  }
0x15c: {  	v11 =	vmul.f32 v14, v19;
	v44 =	vadd.f32 v42, v12;
	v12 =	vmul.f32 v56, v61  }
0x15d: {  	v4 =	vadd.f32 v7, v4;
	v7 =	vmul.f32 v8, v35;
	v35 =	vmul.f32 v14, v17  }
0x15e: {  	v8 =	vmul.f32 v8, v33;
	v9 =	vadd.f32 v11, v9;
	v11 =	vadd.f32 v26, v20  }
0x15f: {  	v20 =	vmul.f32 v14, v21;
	v14 =	vmul.f32 v14, v34;
	v3 =	vadd.f32 v35, v3;
	v35 =	vld [tilespmem:$0x1FE20]  }
0x160: {  	v21 =	vmul.f32 v56, v47;
	v1 =	vadd.f32 v1, v7;
	v7 =	vmul.f32 v37, v30  }
0x161: {  	v26 =	vmul.f32 v56, v36;
	v12 =	vadd.f32 v12, v10;
	v11 =	vadd.f32 v22, v11  }
0x162: {  	v22 =	vmul.f32 v56, v23;
	v23 =	vmul.f32 v51, v23;
	v7 =	vadd.f32 v7, v9  }
0x163: {  	v9 =	vadd.f32 v20, v40;
	v1 =	vadd.f32 v48, v1;
	v48 =	vmul.f32 v56, v25  }
0x164: {  	v19 =	vadd.f32 v22, v6;
	v6 =	vadd.f32 v26, v0;
	v39 =	vperm.xlane v35, v38  }
0x165: {  	v20 =	vmul.f32 v51, v25;
	v0 =	vadd.f32 v14, v8;
	v8 =	vmul.f32 v51, v47  }
0x166: {  	v10 =	vadd.f32 v15, v3;
	v3 =	vmov s26;
	v26 =	vmovc v43;
	v43 =	vsub.f32 v11, v39  }
0x167: {  	v3 =	vand.u32 $0xF, v3;
	v11 =	vadd.f32 v41, v0;
	v41 =	vsub.f32 v4, v39;
	v4 =	vld [tilespmem:$0x1FD30]  }
0x168: {  	v14 =	vmul.f32 v51, v30;
	v38 =	vsub.f32 v7, v39;
	v7 =	vbroadcast v3, $0x0  }
0x169: {  	v16 =	vadd.f32 v21, v16;
	v22 =	vmul.f32 v51, v36;
	v21 =	vperm.xlane v35, v55  }
0x16a: {  	v0 =	vperm.xlane v57, v7;
	v61 =	vperm.xlane v59, v7  }
0x16b: {  	v55 =	vperm.xlane v35, v50;
	v49 =	vsub.f32 v6, v21;
	v50 =	vperm.xlane v35, v7  }
0x16c: {  	v6 =	vmul.f32 v61, v28;
	v35 =	vadd.f32 v48, v4;
	v4 =	vmul.f32 v0, v62  }
0x16d: {  	v9 =	vadd.f32 v13, v9;
	v3 =	vmul.f32 v51, v24;
	v42 =	vsub.f32 v10, v39  }
0x16e: {  	v57 =	vperm.xlane v60, v7;
	v62 =	vadd.f32 v6, v4;
	v4 =	vadd.f32 v8, v5;
	v8 =	vld [tilespmem:$0x1FD40]  }
0x16f: {  	v40 =	vsub.f32 v2, v21;
	v51 =	vsub.f32 v1, v39;
	v2 =	vmul.f32 v0, v29  }
0x170: {  	v1 =	vld [tilespmem:$0x1FD20];
	v56 =	vsub.f32 v9, v39;
	v59 =	vmul.f32 v57, v30;
	v9 =	vmul.f32 v61, v58  }
0x171: {  	v60 =	vmul.f32 v57, v36;
	v7 =	vmul.f32 v57, v31;
	v30 =	vsub.f32 v11, v39  }
0x172: {  	v10 =	vmul.f32 v61, v17;
	v11 =	vadd.f32 v14, v63;
	v58 =	vadd.f32 v9, v2  }
0x173: {  	p1 =	sne.s32 s25, $0xC;
	v13 =	vmul.f32 v0, v18;
	v9 =	vadd.f32 v22, v53;
	v53 =	vsub.f32 v8, v21;
	v8 =	vld [tilespmem:$0x1FD50]  }
.Ltmp2:
0x174: {  	v15 =	vmul.f32 v61, v34;
	v63 =	vsub.f32 v16, v21;
	v14 =	vmul.f32 v0, v32;
	(pc) =	sbr.rel @p1 .LBB2_8-.Ltmp2, $4  }
0x175: {  	v37 =	vsub.f32 v1, v55;
	v1 =	vmul.f32 v61, v27;
	v48 =	vsub.f32 v12, v21  }
0x176: {  	v36 =	vmovc v46;
	v12 =	vmul.f32 v0, v33;
	v2 =	vsub.f32 v54, v21;
	v5 =	vadd.f32 v23, v52  }
0x177: {  	v46 =	vmovc v45;
	v6 =	vmul.f32 v0, v26;
	v54 =	vsub.f32 v35, v21;
	v52 =	vsub.f32 v19, v21  }
0x178: {  	s25 =	sadd.s32 $0x4, s25;
	v31 =	vmovc v26;
	v5 =	vsub.f32 v5, v55;
	v16 =	vadd.f32 v20, v8;
	v8 =	vmul.f32 v57, v47;
	v47 =	vld [tilespmem:$0x1FD60]  }
0x179: {  	v19 =	vld [tilespmem:$0x1FED0];
	_ =	sdelay $0x1  }
0x17a: {  	v10 =	vadd.f32 v10, v13;
	v13 =	vld [tilespmem:$0x1FEE0];
	_ =	sdelay $0x2  }
0x17b: {  	v7 =	vadd.f32 v7, v10;
	v10 =	vld [tilespmem:$0x1FEF0];
	v19 =	vmul.f32 v61, v19;
	_ =	sdelay $0x1  }
0x17c: {  	v13 =	vmul.f32 v57, v13;
	v14 =	vadd.f32 v19, v14  }
0x17d: {  	v17 =	vld [tilespmem:$0x1FEC0]  }
0x17e: {  	v13 =	vadd.f32 v13, v14;
	v14 =	vld [tilespmem:$0x1FF00]  }
0x17f: {  	v12 =	vadd.f32 v15, v12;
	v15 =	vld [tilespmem:$0x1FEB0];
	v10 =	vmul.f32 v57, v10;
	_ =	sdelay $0x1  }
0x180: {  	v10 =	vadd.f32 v10, v12;
	v12 =	vld [tilespmem:$0x1FF10];
	_ =	sdelay $0x1  }
0x181: {  	v14 =	vmul.f32 v61, v14  }
0x182: {  	v3 =	vadd.f32 v3, v46;
	v17 =	vmul.f32 v61, v17;
	v15 =	vmul.f32 v0, v15  }
0x183: {  	v18 =	vsub.f32 v47, v55;
	v6 =	vadd.f32 v14, v6;
	v14 =	vld [tilespmem:$0x1FDB0]  }
0x184: {  	v47 =	vsub.f32 v13, v50;
	v13 =	vld [tilespmem:$0x1FEA0];
	v46 =	vmul.f32 v0, v12;
	v12 =	vadd.f32 v17, v15  }
0x185: {  	v6 =	vadd.f32 v59, v6;
	v59 =	vld [tilespmem:$0x1FDD0]  }
0x186: {  	v8 =	vadd.f32 v8, v12  }
0x187: {  	v3 =	vsub.f32 v3, v55  }
0x188: {  	v0 =	vadd.f32 v1, v46;
	v8 =	vsub.f32 v8, v50;
	v1 =	vmax.f32 v14, v47  }
0x189: {  	v4 =	vsub.f32 v4, v55;
	v13 =	vmul.f32 v57, v13;
	v1 =	vmax.f32 v1, v3  }
0x18a: {  	v12 =	vld [tilespmem:$0x1FD80];
	v1 =	vmax.f32 v1, v2;
	v2 =	vmax.f32 v59, v8  }
0x18b: {  	v2 =	vmax.f32 v2, v4;
	v4 =	vadd.f32 v13, v58;
	_ =	sdelay $0x1  }
0x18c: {  	v7 =	vsub.f32 v7, v50;
	v2 =	vmax.f32 v2, v63;
	v63 =	vsub.f32 v4, v50;
	v4 =	vld [tilespmem:$0x1FD90]  }
0x18d: {  	v22 =	vld [tilespmem:$0x1FF60];
	v0 =	vadd.f32 v60, v0  }
0x18e: {  	v7 =	vmax.f32 v12, v7;
	v12 =	vld [tilespmem:$0x1FE90]  }
0x18f: {  	v25 =	vld [tilespmem:$0x1FF70];
	v0 =	vsub.f32 v0, v50  }
0x190: {  	v28 =	vld [tilespmem:$0x1FF80]  }
0x191: {  	v0 =	vmax.f32 v4, v0;
	v4 =	vmax.f32 v7, v18;
	v7 =	vld [tilespmem:$0x1FDC0]  }
0x192: {  	v29 =	vld [tilespmem:$0x1FF90]  }
0x193: {  	v14 =	vld [tilespmem:$0x1FD70];
	v12 =	vmul.f32 v57, v12  }
0x194: {  	v27 =	vld [tilespmem:$0x1FFB0];
	v10 =	vsub.f32 v10, v50  }
0x195: {  	v61 =	vsub.f32 v6, v50;
	v3 =	vadd.f32 v12, v62;
	v62 =	vld [tilespmem:$0x1FDA0]  }
0x196: {  	v6 =	vadd.f32 v36, v44;
	v8 =	vmax.f32 v2, v51;
	v2 =	vmax.f32 v7, v63;
	v7 =	vld [tilespmem:$0x1FDE0]  }
0x197: {  	v11 =	vsub.f32 v11, v55;
	v9 =	vsub.f32 v9, v55;
	v32 =	vld [tilespmem:$0x1FFC0]  }
0x198: {  	v33 =	vld [tilespmem:$0x1FFD0];
	v16 =	vsub.f32 v16, v55;
	v6 =	vsub.f32 v6, v39;
	v10 =	vmax.f32 v14, v10  }
0x199: {  	s24 =	sadd.s32 $0x1, s24;
	v23 =	vld [tilespmem:$0x1FFE0];
	v5 =	vmax.f32 v10, v5;
	v10 =	vmax.f32 v1, v56;
	v3 =	vsub.f32 v3, v50  }
0x19a: {  	v24 =	vld [tilespmem:$0x1FFF0];
	p1 =	sne.s32 s24, $0x20;
	v0 =	vmax.f32 v0, v9;
	v4 =	vmax.f32 v4, v53;
	v1 =	vmax.f32 v62, v61  }
.Ltmp3:
0x19b: {  	v60 =	vld [tilespmem:$0x1FF40];
	v0 =	vmax.f32 v0, v49;
	v9 =	vmax.f32 v4, v42;
	v3 =	vmax.f32 v7, v3;
	(pc) =	sbr.rel @p1 .LBB2_7-.Ltmp3, $4  }
0x19c: {  	v59 =	vld [tilespmem:$0x1FF30];
	v1 =	vmax.f32 v1, v11;
	v14 =	vmax.f32 v0, v43;
	v3 =	vmax.f32 v3, v37  }
0x19d: {  	v12 =	vld [tilespmem:$0x1FF20];
	v1 =	vmax.f32 v1, v40;
	v2 =	vmax.f32 v2, v16;
	v3 =	vmax.f32 v3, v48  }
0x19e: {  	v18 =	vld [tilespmem:$0x1FFA0];
	v2 =	vmax.f32 v2, v54;
	v4 =	vmax.f32 v3, v41;
	v3 =	vmax.f32 v5, v52  }
0x19f: {  	v62 =	vld [tilespmem:$0x1FF50];
	v13 =	vmax.f32 v1, v38;
	v5 =	vmax.f32 v2, v6;
	v11 =	vmax.f32 v3, v30  }
0x1a0: {  	v1 =	vmul.f32 v60, v60  }
0x1a1: {  	v19 =	vld [tilespmem:$0x1FE90];
	v21 =	vadd.f32 v4, v4;
	v23 =	vmul.f32 v23, v23;
	v24 =	vmul.f32 v24, v24  }
0x1a2: {  	v5 =	vadd.f32 v5, v5;
	v6 =	vld [tilespmem:$0x1FEB0];
	v30 =	vmul.f32 v32, v32;
	v33 =	vmul.f32 v33, v33  }
0x1a3: {  	v7 =	vld [tilespmem:$0x1FEC0];
	v34 =	vadd.f32 v9, v9;
	v35 =	vmul.f32 v29, v29;
	v37 =	vadd.f32 v8, v8  }
0x1a4: {  	v39 =	vmul.f32 v27, v27;
	v44 =	vadd.f32 v10, v10;
	v45 =	vmul.f32 v31, v31;
	v46 =	vld [tilespmem:$0x1FF00]  }
0x1a5: {  	v47 =	vadd.f32 v11, v11;
	v48 =	vld [tilespmem:$0x1FF10];
	v49 =	vmul.f32 v28, v28;
	v56 =	vadd.f32 v13, v13  }
0x1a6: {  	v20 =	vld [tilespmem:$0x1FEA0];
	v0 =	vmul.f32 v59, v59;
	v59 =	vadd.f32 v14, v14;
	v3 =	vmul.f32 v12, v12  }
0x1a7: {  	v36 =	vld [tilespmem:$0x1FED0];
	v26 =	vadd.f32 v24, v23;
	v38 =	vmul.f32 v18, v18;
	v2 =	vmul.f32 v62, v62  }
0x1a8: {  	v43 =	vld [tilespmem:$0x1FEF0];
	v0 =	vadd.f32 v1, v0;
	v1 =	vmul.f32 v19, v19;
	v6 =	vmul.f32 v6, v6  }
0x1a9: {  	v7 =	vmul.f32 v7, v7;
	v42 =	vadd.f32 v39, v38;
	v8 =	vmul.f32 v46, v46  }
0x1aa: {  	v10 =	vmul.f32 v48, v48;
	v2 =	vadd.f32 v3, v2;
	v0 =	vadd.f32 v1, v0  }
0x1ab: {  	v3 =	vmul.f32 v20, v20;
	v32 =	vadd.f32 v7, v6;
	v1 =	vadd.f32 v30, v26  }
0x1ac: {  	v41 =	vld [tilespmem:$0x1FEE0];
	v6 =	vmul.f32 v36, v36;
	v50 =	vadd.f32 v8, v45;
	v53 =	vadd.f32 v49, v10  }
0x1ad: {  	v7 =	vmul.f32 v43, v43;
	v2 =	vadd.f32 v3, v2;
	v0 =	vsub.f32 v0, v21  }
0x1ae: {  	v54 =	vmul.f32 v25, v25;
	v4 =	vadd.f32 v33, v32;
	v1 =	vsub.f32 v1, v34  }
0x1af: {  	v51 =	vmul.f32 v22, v22;
	v40 =	vadd.f32 v6, v35;
	v6 =	vadd.f32 v7, v42  }
0x1b0: {  	s0 =	sand.u32 $0x3FFFFF80, s23;
	v58 =	vadd.f32 v54, v53;
	v2 =	vsub.f32 v2, v5;
	v0 =	vmax.f32 v0, $0.0e+00  }
0x1b1: {  	v5 =	vmul.f32 v41, v41;
	v4 =	vsub.f32 v4, v37;
	v1 =	vmax.f32 v1, $0.0e+00;
	[tilespmem:s0+$0x8800] =	vst v0  }
0x1b2: {  	v55 =	vadd.f32 v51, v50;
	v52 =	vsub.f32 v6, v47;
	v2 =	vmax.f32 v2, $0.0e+00;
	[tilespmem:s0+$0x8820] =	vst v1  }
0x1b3: {  	v61 =	vsub.f32 v58, v59;
	v3 =	vadd.f32 v5, v40;
	[tilespmem:s0+$0x8810] =	vst v2;
	v57 =	vmax.f32 v4, $0.0e+00  }
.Ltmp4:
0x1b4: {  	v2 =	vsub.f32 v55, v56;
	v0 =	vmax.f32 v52, $0.0e+00;
	[tilespmem:s0+$0x8830] =	vst v57;
	(pc) =	sbr.rel @p0 .LBB2_6-.Ltmp4, $4  }
0x1b5: {  	v63 =	vmax.f32 v61, $0.0e+00;
	v3 =	vsub.f32 v3, v44;
	[tilespmem:s0+$0x8850] =	vst v0  }
0x1b6: {  	[tilespmem:s0+$0x8870] =	vst v63;
	v62 =	vmax.f32 v2, $0.0e+00  }
0x1b7: {  	v60 =	vmax.f32 v3, $0.0e+00;
	[tilespmem:s0+$0x8860] =	vst v62  }
0x1b8: {  	s2 =	simm.s32 $0x1;
	p1 =	por $0x0, $0x0;
	[tilespmem:s0+$0x8840] =	vst v60  }
0x1b9: {  	v1 =	vld [tilespmem:s10+$0x6000];
	_ =	sdelay $0x1  }
0x1ba: {  	v2 =	vld [tilespmem:s10+$0x6200]  }
0x1bb: {  	v0 =	vld [tilespmem:s10+$0x6400];
	s23 =	simm.s32 $0x0;
	v7 =	vimm.f32 $-Inf;
	s24 =	simm.s32 $0x0  }
.LBB2_12:
0x1bc: {  	s0 =	sshll.u32 s24, $0x4  }
0x1bd: {  	v5 =	vld [tilespmem:s0+$0x0]  }
0x1be: {  	v6 =	vld [tilespmem:s0+$0x2000]  }
0x1bf: {  	s2 =	simm.s32 $0x1;
	v4 =	vld [tilespmem:s0+$0x4000]  }
0x1c0: {  	v9 =	vmov s23;
	v3 =	vld [tilespmem:s0+$0x6600];
	v8 =	vmov s2  }
0x1c1: {  	v9 =	vand.u32 $0xF, v9;
	v8 =	vand.u32 $0xF, v8  }
0x1c2: {  	v9 =	vbroadcast v9, $0x0;
	v11 =	vbroadcast v8, $0x0;
	_ =	sdelay $0x1  }
0x1c3: {  	v10 =	vperm.xlane v5, v11;
	v12 =	vperm.xlane v6, v9  }
0x1c4: {  	v13 =	vperm.xlane v4, v9;
	v8 =	vperm.xlane v3, v9  }
0x1c5: {  	s30 =	simm.s32 $0x3;
	v14 =	vperm.xlane v4, v11;
	v9 =	vperm.xlane v5, v9  }
0x1c6: {  	v15 =	vmov s30;
	v16 =	vmul.f32 v13, v0;
	v13 =	vperm.xlane v6, v11  }
0x1c7: {  	s31 =	simm.s32 $0x2;
	v15 =	vand.u32 $0xF, v15;
	v12 =	vmul.f32 v12, v2;
	v17 =	vmul.f32 v10, v1  }
0x1c8: {  	v18 =	vmov s31;
	v10 =	vbroadcast v15, $0x0;
	v13 =	vmul.f32 v13, v2  }
0x1c9: {  	v15 =	vand.u32 $0xF, v18;
	v18 =	vmul.f32 v14, v0;
	v9 =	vmul.f32 v9, v1  }
0x1ca: {  	v19 =	vperm.xlane v5, v10;
	v20 =	vperm.xlane v6, v10;
	v17 =	vadd.f32 v13, v17  }
0x1cb: {  	v14 =	vperm.xlane v3, v11;
	v9 =	vadd.f32 v12, v9;
	v13 =	vbroadcast v15, $0x0  }
0x1cc: {  	v11 =	vmul.f32 v19, v1;
	v19 =	vmul.f32 v20, v2;
	v15 =	vadd.f32 v18, v17  }
0x1cd: {  	v12 =	vperm.xlane v4, v13;
	v17 =	vadd.f32 v16, v9;
	v18 =	vperm.xlane v5, v13  }
0x1ce: {  	s2 =	simm.s32 $0x4;
	v16 =	vperm.xlane v6, v13;
	v9 =	vperm.xlane v3, v10;
	v11 =	vadd.f32 v19, v11  }
.LBB2_13:
0x1cf: {  	s25 =	sadd.s32 $0x1, s2  }
0x1d0: {  	s26 =	sadd.s32 $0x2, s2;
	v8 =	vsub.f32 v17, v8;
	v17 =	vmul.f32 v18, v1;
	v10 =	vperm.xlane v4, v10;
	s28 =	smov.u32 s2;
	s0 =	sadd.s32 $0x4, s2  }
0x1d1: {  	p0 =	sne.s32 s2, $0xC;
	v13 =	vperm.xlane v3, v13;
	v18 =	vmov s25;
	v19 =	vmov s26  }
0x1d2: {  	v14 =	vsub.f32 v15, v14;
	v20 =	vmov s28;
	v18 =	vand.u32 $0xF, v18  }
0x1d3: {  	s2 =	sadd.s32 $0x3, s28;
	v16 =	vmul.f32 v16, v2;
	v15 =	vand.u32 $0xF, v20;
	v18 =	vbroadcast v18, $0x0  }
0x1d4: {  	v20 =	vmov s2;
	v7 =	vmax.f32 v7, v8;
	v15 =	vbroadcast v15, $0x0  }
0x1d5: {  	v10 =	vmul.f32 v10, v0;
	v16 =	vadd.f32 v16, v17;
	v21 =	vperm.xlane v5, v18  }
0x1d6: {  	v12 =	vmul.f32 v12, v0;
	v7 =	vmax.f32 v7, v14;
	v17 =	vperm.xlane v6, v15  }
0x1d7: {  	v20 =	vand.u32 $0xF, v20;
	v14 =	vperm.xlane v4, v15;
	v8 =	vperm.xlane v3, v15  }
0x1d8: {  	v22 =	vperm.xlane v4, v18;
	v12 =	vadd.f32 v12, v16;
	v17 =	vmul.f32 v17, v2  }
0x1d9: {  	v11 =	vadd.f32 v10, v11;
	v16 =	vmul.f32 v14, v0;
	v14 =	vperm.xlane v6, v18  }
0x1da: {  	v10 =	vbroadcast v20, $0x0;
	v21 =	vmul.f32 v21, v1;
	v12 =	vsub.f32 v12, v13  }
0x1db: {  	v9 =	vsub.f32 v11, v9;
	v13 =	vperm.xlane v5, v15;
	v15 =	vand.u32 $0xF, v19  }
0x1dc: {  	v19 =	vmul.f32 v22, v0;
	v11 =	vmul.f32 v14, v2;
	v7 =	vmax.f32 v7, v12  }
0x1dd: {  	v20 =	vperm.xlane v5, v10;
	v12 =	vmul.f32 v13, v1;
	v7 =	vmax.f32 v7, v9  }
.Ltmp5:
0x1de: {  	v13 =	vbroadcast v15, $0x0;
	v9 =	vadd.f32 v11, v21;
	v11 =	vperm.xlane v6, v10;
	(pc) =	sbr.rel @p0 .LBB2_13-.Ltmp5, $4  }
0x1df: {  	v20 =	vmul.f32 v20, v1;
	v14 =	vperm.xlane v3, v18;
	v17 =	vadd.f32 v17, v12  }
0x1e0: {  	v12 =	vperm.xlane v4, v13;
	v15 =	vadd.f32 v19, v9;
	v11 =	vmul.f32 v11, v2  }
0x1e1: {  	v18 =	vperm.xlane v5, v13;
	v17 =	vadd.f32 v16, v17  }
0x1e2: {  	s2 =	smov.u32 s0;
	v16 =	vperm.xlane v6, v13;
	v9 =	vperm.xlane v3, v10;
	v11 =	vadd.f32 v11, v20  }
0x1e3: {  	_ = 	snop  }
0x1e4: {  	v5 =	vmul.f32 v18, v1;
	v6 =	vmul.f32 v16, v2  }
0x1e5: {  	v4 =	vperm.xlane v4, v10  }
0x1e6: {  	v5 =	vadd.f32 v6, v5;
	v6 =	vmul.f32 v12, v0  }
0x1e7: {  	s24 =	sadd.s32 $0x1, s24;
	v4 =	vmul.f32 v4, v0  }
0x1e8: {  	v8 =	vsub.f32 v17, v8;
	v3 =	vperm.xlane v3, v13;
	p0 =	sne.s32 s24, $0x200;
	v5 =	vadd.f32 v6, v5  }
.Ltmp6:
0x1e9: {  	v4 =	vadd.f32 v4, v11;
	v6 =	vsub.f32 v15, v14;
	(pc) =	sbr.rel @p0 .LBB2_12-.Ltmp6, $4  }
0x1ea: {  	v7 =	vmax.f32 v7, v8;
	v3 =	vsub.f32 v5, v3  }
0x1eb: {  	v4 =	vsub.f32 v4, v9;
	v5 =	vmax.f32 v7, v6  }
0x1ec: {  	v3 =	vmax.f32 v5, v3  }
0x1ed: {  	v7 =	vmax.f32 v3, v4  }
0x1ee: {  	v1 =	vmul.f32 v1, v1;
	v2 =	vmul.f32 v2, v2;
	_ =	sdelay $0x1  }
0x1ef: {  	v0 =	vmul.f32 v0, v0;
	v1 =	vadd.f32 v2, v1;
	_ =	sdelay $0x1  }
0x1f0: {  	v63 =	vadd.f32 v7, v7;
	v0 =	vadd.f32 v0, v1;
	_ =	sdelay $0x1  }
0x1f1: {  	v0 =	vsub.f32 v0, v63;
	_ =	sdelay $0x1  }
0x1f2: {  	v0 =	vmax.f32 v0, $0.0e+00  }
0x1f3: {  	[tilespmem:$0x8900] =	vst v0  }
0x1f4: {  	[hbm4b:s11+s1] =	stream.linear.scatter [tilespmem:s20], [sflag:$0x1], $0x100, $0x38;
	[tilespmem:$0x8980] =	vst v63  }
0x1f5: {  	s22 =	sadd.s32 $0x1, s22;
	_ =	swait.ge [sflag:s14], $0x100  }
0x1f6: {  	p0 =	sne.s32 s22, s13;
	[sflag:s14] =	ssyncset.done $0x0  }
.Ltmp7:
0x1f7: {  	[sflag:s14] =	ssyncadd.s32 $0xFFFFFF00;
	(pc) =	sbr.rel @p0 .LBB2_1-.Ltmp7, $4  }
0x1f8: {  	[hbm4b:s12+s1] =	stream.linear.scatter [tilespmem:s21], [sflag:$0x1], $0x10, $0x38;
	[tilespmem:$0x8980] =	vst v63  }
0x1f9: {  	_ =	swait.ge [sflag:s14], $0x10  }
0x1fa: {  	[sflag:s14] =	ssyncset.done $0x0  }
0x1fb: {  	[sflag:s14] =	ssyncadd.s32 $0xFFFFFFF0  }
0x1fc: {  	_ =	sfence.sel $0x180000  }
0x1fd: {  	[bflag:$0x0] =	sbarrier.arrive $0xFFFF  }
0x1fe: {  	_ =	strace $0x90000047  }
0x1ff: {  	s0 =	stileid.u32;
	[bflag:$0x2] =	sbarrier.arrive $0xFFFF  }
0x200: {  	p0 =	sne.s32 s0, $0x0;
	s0 =	rddreg [dreg:$0x1]  }
0x201: {  	s0 =	sadd.s32 @!p0 $0x100000, s0  }
0x202: {  	[sflag:s0] =	ssyncadd.tile.s32 @!p0 $0x1;
	_ =	shalt  }
.Lfunc_end2:
_tile_overlayer_lowered:
.L_overlay_start_2:
0x203: {  	(tag) =	ssettag $0x2  }
0x204: {  	s0 =	rddreg [dreg:$0x0];
	s2 =	stileid.u32  }
0x205: {  	s1 =	rddreg [dreg:$0x1];
	p0 =	sne.s32 s2, $0x0  }
0x206: {  	s3 =	rddreg [dreg:$0x2];
	[bflag:$0x3] =	sbarrier.arrive $0xFFFF;
	s2 =	simm.s32 @!p0 $0x1C01  }
0x207: {  	[timem:s3], [sflag:s2] =	dma.local @!p0 [hbm:s0], s1  }
0x208: {  	s0 =	simm.s32 @!p0 $0x1  }
0x209: {  	_ =	swait.ge @!p0 [sflag:s0], s1  }
0x20a: {  	s1 =	ssub.s32 @!p0 $0x0, s1;
	[sflag:s0] =	ssyncset.done @!p0 $0x0  }
0x20b: {  	[sflag:s0] =	ssyncadd.s32 @!p0 s1  }
0x20c: {  	[bflag:$0x3] =	sbarrier.arrive $0xFFFF  }
0x20d: {  	_ =	shalt  }

</sc_bundles>
